<compile_context>
chip_gen: v7x
topology: tpu7x:2x2x1
jax: 0.10.2.dev20260603
libtpu: 0.0.44.dev20260713+nightly
codegen_flags: <defaults>
</compile_context>

<pallas_src>
import functools

import jax
import jax.numpy as jnp
from jax import lax
from jax.experimental import pallas as pl
from jax.experimental.pallas import tpu as pltpu
from jax.experimental.pallas import tpu_sc as plsc

EPS = 0.01
TOPK = 8
NEG = -1e30


def _ssq_kernel(v_ref, ssq_ref):
    r = pl.program_id(1)
    v = v_ref[0]
    part = jnp.sum(v * v)

    @pl.when(r == 0)
    def _init():
        ssq_ref[...] = jnp.reshape(part, (1, 1, 1))

    @pl.when(r != 0)
    def _acc():
        ssq_ref[...] += jnp.reshape(part, (1, 1, 1))


def _tokens_kernel(x_ref, v_ref, w_ref, c_ref, t_ref, p_ref):
    x = x_ref[0]
    v = v_ref[0]
    w = w_ref[...]
    c = c_ref[...][0]
    a = jnp.dot(x, w, preferred_element_type=jnp.float32)
    xp = x + c * v
    tp = jnp.dot(xp, w, preferred_element_type=jnp.float32)
    t_ref[0] = a / (jnp.sqrt(jnp.sum(a * a, axis=1, keepdims=True)) + 1e-6)
    p_ref[0] = tp / (jnp.sqrt(jnp.sum(tp * tp, axis=1, keepdims=True)) + 1e-6)


def _sims_kernel(t_ref, p_ref, key_ref, val_ref, *, rb, n):
    r = pl.program_id(1)

    rows_t = t_ref[0, pl.ds(r * rb, rb), :]
    rows_p = p_ref[0, pl.ds(r * rb, rb), :]
    s_t = jnp.dot(rows_t, t_ref[0].T, preferred_element_type=jnp.float32)
    s_p = jnp.dot(rows_p, p_ref[0].T, preferred_element_type=jnp.float32)

    col = jax.lax.broadcasted_iota(jnp.int32, (rb, n), 1)
    rowg = jax.lax.broadcasted_iota(jnp.int32, (rb, n), 0) + r * rb
    key_ref[...] = jnp.where(col == rowg, NEG, s_t)
    d = s_p - s_t
    val_ref[...] = d * d


def _make_sc_topk(total_rows, n, rows_blk):
    info = plsc.get_sparse_core_info()
    nc, ns, lanes = info.num_cores, info.num_subcores, info.num_lanes
    nw = nc * ns
    rows_per_w = total_rows // nw
    n_blocks = rows_per_w // rows_blk
    n_chunks = n // lanes
    mesh = plsc.VectorSubcoreMesh(core_axis_name="c", subcore_axis_name="s")

    @functools.partial(
        pl.kernel,
        mesh=mesh,
        compiler_params=pltpu.CompilerParams(needs_layout_passes=False),
        out_type=jax.ShapeDtypeStruct((nw, lanes), jnp.float32),
        scratch_types=[
            pltpu.VMEM((rows_blk, n), jnp.float32),
            pltpu.VMEM((rows_blk, n), jnp.float32),
            pltpu.VMEM((lanes,), jnp.float32),
            pltpu.VMEM((lanes,), jnp.float32),
            pltpu.VMEM((lanes,), jnp.float32),
        ],
    )
    def sc_topk(key_hbm, val_hbm, out_hbm, k_buf, v_buf, acc_ref, tk_ref, tv_ref):
        wid = lax.axis_index("s") * nc + lax.axis_index("c")
        base = wid * rows_per_w
        lane_iota = lax.iota(jnp.int32, lanes)
        topmask = lane_iota < TOPK
        zeros = jnp.zeros((lanes,), jnp.float32)
        acc_ref[...] = zeros

        def block_body(blk, _):
            row0 = base + blk * rows_blk
            pltpu.sync_copy(key_hbm.at[pl.ds(row0, rows_blk), :], k_buf)
            pltpu.sync_copy(val_hbm.at[pl.ds(row0, rows_blk), :], v_buf)

            for rr in range(rows_blk):
                tk_ref[...] = jnp.full((lanes,), NEG, jnp.float32)
                tv_ref[...] = zeros

                def chunk_body(i, carry):
                    ck = k_buf[rr, pl.ds(i * lanes, lanes)]
                    cv = v_buf[rr, pl.ds(i * lanes, lanes)]
                    ck, cv = plsc.sort_key_val(ck, cv)
                    tk = tk_ref[...]
                    tv = tv_ref[...]
                    m = tk >= ck
                    nk = jnp.where(m, tk, ck)
                    nv = jnp.where(m, tv, cv)
                    sk, sv = plsc.sort_key_val(nk, nv, descending=True)
                    tk_ref[...] = sk
                    tv_ref[...] = sv
                    return 0

                lax.fori_loop(0, n_chunks, chunk_body, 0)
                acc_ref[...] = acc_ref[...] + jnp.where(topmask, tv_ref[...], 0.0)
            return 0

        lax.fori_loop(0, n_blocks, block_body, 0)
        pltpu.sync_copy(acc_ref, out_hbm.at[wid])

    return sc_topk


def kernel(x_t, v_pred, W):
    bsz, n, d = x_t.shape
    h = W.shape[1]
    ra = 512
    rb = 256

    ssq = pl.pallas_call(
        _ssq_kernel,
        grid=(bsz, n // ra),
        in_specs=[pl.BlockSpec((1, ra, d), lambda b, r: (b, r, 0))],
        out_specs=pl.BlockSpec((1, 1, 1), lambda b, r: (b, 0, 0)),
        out_shape=jax.ShapeDtypeStruct((bsz, 1, 1), jnp.float32),
    )(v_pred)

    rms = jnp.sqrt(ssq / (n * d) + 1e-6)
    c = EPS / rms

    t_hat, p_hat = pl.pallas_call(
        _tokens_kernel,
        grid=(bsz, n // ra),
        in_specs=[
            pl.BlockSpec((1, ra, d), lambda b, r: (b, r, 0)),
            pl.BlockSpec((1, ra, d), lambda b, r: (b, r, 0)),
            pl.BlockSpec((d, h), lambda b, r: (0, 0)),
            pl.BlockSpec((1, 1, 1), lambda b, r: (b, 0, 0)),
        ],
        out_specs=[
            pl.BlockSpec((1, ra, h), lambda b, r: (b, r, 0)),
            pl.BlockSpec((1, ra, h), lambda b, r: (b, r, 0)),
        ],
        out_shape=[
            jax.ShapeDtypeStruct((bsz, n, h), jnp.float32),
            jax.ShapeDtypeStruct((bsz, n, h), jnp.float32),
        ],
    )(x_t, v_pred, W, c)

    nblk = n // rb
    keys, vals = pl.pallas_call(
        functools.partial(_sims_kernel, rb=rb, n=n),
        grid=(bsz, nblk),
        in_specs=[
            pl.BlockSpec((1, n, h), lambda b, r: (b, 0, 0)),
            pl.BlockSpec((1, n, h), lambda b, r: (b, 0, 0)),
        ],
        out_specs=[
            pl.BlockSpec((rb, n), lambda b, r: (b * nblk + r, 0)),
            pl.BlockSpec((rb, n), lambda b, r: (b * nblk + r, 0)),
        ],
        out_shape=[
            jax.ShapeDtypeStruct((bsz * n, n), jnp.float32),
            jax.ShapeDtypeStruct((bsz * n, n), jnp.float32),
        ],
    )(t_hat, p_hat)

    sc_fn = _make_sc_topk(bsz * n, n, rows_blk=8)
    partial = sc_fn(keys, vals)

    return jnp.sum(partial) / bsz

# --- scband reference (transcript-rebuilt; emitter-appended) ---
"""Pipeline reference for scband-struct-loss-29454885716563 (READ-ONLY COPY).

The authoritative reference and input builder live on the scoring server;
editing this copy changes nothing except your own understanding.
"""

import jax, jax.numpy as jnp
import numpy as np

EPS = 0.01
TOPK = 8

def rms_normalize(v, eps=1e-6):
    rms = jnp.sqrt(jnp.mean(v ** 2, axis=(1, 2), keepdims=True) + eps)
    return v / rms

def self_similarity(tokens):
    tokens_hat = tokens / (jnp.linalg.norm(tokens, axis=-1, keepdims=True) + 1e-6)
    return tokens_hat @ jnp.swapaxes(tokens_hat, -1, -2)

def topk_mask(sim, topk):
    b, n, _ = sim.shape
    diag = jnp.eye(n, dtype=bool)
    sim_no_diag = jnp.where(diag[None, :, :], -jnp.inf, sim)
    k = min(topk, n - 1)
    _, idx = jax.lax.top_k(sim_no_diag, k)
    idx_flat = idx.reshape(b * n, k)
    mask = jnp.zeros((b * n, n), dtype=sim.dtype).at[jnp.arange(b * n)[:, None], idx_flat].set(1.0)
    return mask.reshape(b, n, n)

def setup_inputs(seed: int = 0):
    key = jax.random.key(seed)
    k1, k2, k3 = jax.random.split(key, 3)
    x_t = jax.random.normal(k1, (4, 2048, 768), dtype=jnp.float32)
    v_pred = jax.random.normal(k2, (4, 2048, 768), dtype=jnp.float32)
    W = jax.random.normal(k3, (768, 64), dtype=jnp.float32) / np.sqrt(768.0)
    return {"x_t": x_t, "v_pred": v_pred, "W": W}

def reference(x_t, v_pred, W):
    v_norm = rms_normalize(v_pred)
    x_probe = x_t + EPS * v_norm
    tokens_t = x_t @ W
    tokens_probe = x_probe @ W
    sim_t = self_similarity(tokens_t)
    sim_probe = self_similarity(tokens_probe)
    mask = topk_mask(sim_t, TOPK)
    diff = mask * (sim_probe - sim_t)
    loss = jnp.mean(jnp.sum(diff ** 2, axis=(1, 2)))
    return loss

if __name__ == "__main__":
    import jax
    _d = setup_inputs()
    print(jax.jit(kernel)(*tuple(_d.values())))

</pallas_src>

<mosaic_0001>
#map = affine_map<(d0, d1) -> (0, 0)>
module attributes {stable_mosaic.version = 14 : i64} {
  func.func @sc_topk(%arg0: i32, %arg1: i32, %arg2: memref<8192x2048xf32, #tpu.memory_space<hbm>>, %arg3: memref<8192x2048xf32, #tpu.memory_space<hbm>>, %arg4: memref<32x16xf32, #tpu.memory_space<hbm>>, %arg5: memref<8x2048xf32, #tpu.memory_space<vmem>>, %arg6: memref<8x2048xf32, #tpu.memory_space<vmem>>, %arg7: memref<16xf32, #tpu.memory_space<vmem>>, %arg8: memref<16xf32, #tpu.memory_space<vmem>>, %arg9: memref<16xf32, #tpu.memory_space<vmem>>) attributes {dimension_semantics = [#tpu.dimension_semantics<core_parallel>, #tpu.dimension_semantics<subcore_parallel>], iteration_bounds = array<i64: 2, 16>, scalar_prefetch = 0 : i64, scratch_operands = 5 : i64, tpu.core_type = #tpu.core_type<sc_vector_subcore>, window_params = [{transform_indices = #map}, {transform_indices = #map}, {transform_indices = #map}]} {
    %mul3A = arith.constant 2 : i32
    %mul3A_0 = arith.muli %arg1, %mul3A : i32
    %add3A = arith.addi %mul3A_0, %arg0 : i32
    %mul3A_1 = arith.constant 256 : i32
    %mul3A_2 = arith.muli %add3A, %mul3A_1 : i32
    %iota3A = tpu.iota {dimensions = array<i32: 0>} : vector<16xi32>
    %lt3A = arith.constant 8 : i32
    %lt3A_3 = vector.broadcast %lt3A : i32 to vector<16xi32>
    %lt3A_4 = arith.cmpi slt, %iota3A, %lt3A_3 : vector<16xi32>
    %broadcast_in_dim3A = arith.constant 0.000000e+00 : f32
    %broadcast_in_dim3A_5 = vector.broadcast %broadcast_in_dim3A : f32 to vector<16xf32>
    %swap3A = arith.constant 0 : index
    %swap3A_6 = tpu.vector_load %arg7[%swap3A] {strides = array<i32>} : memref<16xf32, #tpu.memory_space<vmem>>, vector<16xf32>,
    tpu.vector_store %arg7[%swap3A], %broadcast_in_dim3A_5 {strides = array<i32>} : memref<16xf32, #tpu.memory_space<vmem>>, vector<16xf32>,
    %scan3A = arith.constant 0 : i32
    %scan3A_7 = arith.constant 0 : i32
    %scan3A_8 = arith.constant 32 : i32
    %scan3A_9 = arith.addi %scan3A_7, %scan3A_8 : i32
    %scan3A_10 = arith.constant 1 : i32
    %scan3A_11 = scf.for %scan3A_13 = %scan3A_7 to %scan3A_9 step %scan3A_10 iter_args(%scan3A_14 = %scan3A) -> (i32)  : i32 {
      %mul3A_15 = arith.constant 8 : i32
      %mul3A_16 = arith.muli %scan3A_13, %mul3A_15 : i32
      %add3A_17 = arith.addi %mul3A_2, %mul3A_16 : i32
      "tpu.region"() ({
        %run_scoped3A = tpu.sem_alloc : memref<!tpu.dma_semaphore, #tpu.memory_space<semaphore_mem>>
        %dma_start3A = arith.constant 0 : i32
        %dma_start3A_200 = tpu.memref_slice %arg2[%add3A_17, %dma_start3A] : memref<8192x2048xf32, #tpu.memory_space<hbm>> -> memref<8x2048xf32, #tpu.memory_space<hbm>>
        %dma_start3A_201 = arith.constant 0 : i32
        %dma_start3A_202 = tpu.memref_slice %arg2[%add3A_17, %dma_start3A_201] : memref<8192x2048xf32, #tpu.memory_space<hbm>> -> memref<8x2048xf32, #tpu.memory_space<hbm>>
        tpu.enqueue_dma source(%dma_start3A_202 : memref<8x2048xf32, #tpu.memory_space<hbm>>) target(%arg5 : memref<8x2048xf32, #tpu.memory_space<vmem>>) target_semaphore(%run_scoped3A : memref<!tpu.dma_semaphore, #tpu.memory_space<semaphore_mem>>)
        %dma_wait3A = arith.constant 0 : i32
        %dma_wait3A_203 = tpu.memref_slice %arg2[%add3A_17, %dma_wait3A] : memref<8192x2048xf32, #tpu.memory_space<hbm>> -> memref<8x2048xf32, #tpu.memory_space<hbm>>
        %dma_wait3A_204 = arith.constant 0 : i32
        %dma_wait3A_205 = tpu.memref_slice %arg2[%add3A_17, %dma_wait3A_204] : memref<8192x2048xf32, #tpu.memory_space<hbm>> -> memref<8x2048xf32, #tpu.memory_space<hbm>>
        tpu.wait_dma2 semaphore(%run_scoped3A : memref<!tpu.dma_semaphore, #tpu.memory_space<semaphore_mem>>) src(%dma_wait3A_205 : memref<8x2048xf32, #tpu.memory_space<hbm>>) dst(%arg5 : memref<8x2048xf32, #tpu.memory_space<vmem>>)
        tpu.yield
      }) : () -> ()
      "tpu.region"() ({
        %run_scoped3A = tpu.sem_alloc : memref<!tpu.dma_semaphore, #tpu.memory_space<semaphore_mem>>
        %dma_start3A = arith.constant 0 : i32
        %dma_start3A_200 = tpu.memref_slice %arg3[%add3A_17, %dma_start3A] : memref<8192x2048xf32, #tpu.memory_space<hbm>> -> memref<8x2048xf32, #tpu.memory_space<hbm>>
        %dma_start3A_201 = arith.constant 0 : i32
        %dma_start3A_202 = tpu.memref_slice %arg3[%add3A_17, %dma_start3A_201] : memref<8192x2048xf32, #tpu.memory_space<hbm>> -> memref<8x2048xf32, #tpu.memory_space<hbm>>
        tpu.enqueue_dma source(%dma_start3A_202 : memref<8x2048xf32, #tpu.memory_space<hbm>>) target(%arg6 : memref<8x2048xf32, #tpu.memory_space<vmem>>) target_semaphore(%run_scoped3A : memref<!tpu.dma_semaphore, #tpu.memory_space<semaphore_mem>>)
        %dma_wait3A = arith.constant 0 : i32
        %dma_wait3A_203 = tpu.memref_slice %arg3[%add3A_17, %dma_wait3A] : memref<8192x2048xf32, #tpu.memory_space<hbm>> -> memref<8x2048xf32, #tpu.memory_space<hbm>>
        %dma_wait3A_204 = arith.constant 0 : i32
        %dma_wait3A_205 = tpu.memref_slice %arg3[%add3A_17, %dma_wait3A_204] : memref<8192x2048xf32, #tpu.memory_space<hbm>> -> memref<8x2048xf32, #tpu.memory_space<hbm>>
        tpu.wait_dma2 semaphore(%run_scoped3A : memref<!tpu.dma_semaphore, #tpu.memory_space<semaphore_mem>>) src(%dma_wait3A_205 : memref<8x2048xf32, #tpu.memory_space<hbm>>) dst(%arg6 : memref<8x2048xf32, #tpu.memory_space<vmem>>)
        tpu.yield
      }) : () -> ()
      %broadcast_in_dim3A_18 = arith.constant -1.000000e+30 : f32
      %broadcast_in_dim3A_19 = vector.broadcast %broadcast_in_dim3A_18 : f32 to vector<16xf32>
      %swap3A_20 = arith.constant 0 : index
      %swap3A_21 = tpu.vector_load %arg8[%swap3A_20] {strides = array<i32>} : memref<16xf32, #tpu.memory_space<vmem>>, vector<16xf32>,
      tpu.vector_store %arg8[%swap3A_20], %broadcast_in_dim3A_19 {strides = array<i32>} : memref<16xf32, #tpu.memory_space<vmem>>, vector<16xf32>,
      %swap3A_22 = arith.constant 0 : index
      %swap3A_23 = tpu.vector_load %arg9[%swap3A_22] {strides = array<i32>} : memref<16xf32, #tpu.memory_space<vmem>>, vector<16xf32>,
      tpu.vector_store %arg9[%swap3A_22], %broadcast_in_dim3A_5 {strides = array<i32>} : memref<16xf32, #tpu.memory_space<vmem>>, vector<16xf32>,
      %scan3A_24 = arith.constant 0 : i32
      %scan3A_25 = arith.constant 0 : i32
      %scan3A_26 = arith.constant 128 : i32
      %scan3A_27 = arith.addi %scan3A_25, %scan3A_26 : i32
      %scan3A_28 = arith.constant 1 : i32
      %scan3A_29 = scf.for %scan3A_200 = %scan3A_25 to %scan3A_27 step %scan3A_28 iter_args(%scan3A_201 = %scan3A_24) -> (i32)  : i32 {
        %mul3A_202 = arith.constant 16 : i32
        %mul3A_203 = arith.muli %scan3A_200, %mul3A_202 : i32
        %get3A_204 = arith.constant 0 : i32
        %get3A_205 = arith.index_cast %get3A_204 : i32 to index
        %get3A_206 = arith.index_cast %mul3A_203 : i32 to index
        %get3A_207 = tpu.vector_load %arg5[%get3A_205, %get3A_206] {strides = array<i32>} : memref<8x2048xf32, #tpu.memory_space<vmem>>, vector<16xf32>,
        %mul3A_208 = arith.constant 16 : i32
        %mul3A_209 = arith.muli %scan3A_200, %mul3A_208 : i32
        %get3A_210 = arith.constant 0 : i32
        %get3A_211 = arith.index_cast %get3A_210 : i32 to index
        %get3A_212 = arith.index_cast %mul3A_209 : i32 to index
        %get3A_213 = tpu.vector_load %arg6[%get3A_211, %get3A_212] {strides = array<i32>} : memref<8x2048xf32, #tpu.memory_space<vmem>>, vector<16xf32>,
        %masked_sort3A = arith.constant dense<true> : vector<16xi1>
        %masked_sort3A_214, %masked_sort3A_215, %masked_sort3A_216 = tpu.sort %get3A_207, %get3A_213 masked %masked_sort3A : (vector<16xf32>, vector<16xf32>, vector<16xi1>) -> (vector<16xi1>, vector<16xf32>, vector<16xf32>)
        %get3A_217 = arith.constant 0 : index
        %get3A_218 = tpu.vector_load %arg8[%get3A_217] {strides = array<i32>} : memref<16xf32, #tpu.memory_space<vmem>>, vector<16xf32>,
        %get3A_219 = arith.constant 0 : index
        %get3A_220 = tpu.vector_load %arg9[%get3A_219] {strides = array<i32>} : memref<16xf32, #tpu.memory_space<vmem>>, vector<16xf32>,
        %ge3A = arith.cmpf oge, %get3A_218, %masked_sort3A_215 : vector<16xf32>
        %select_n3A_221 = arith.select %ge3A, %get3A_218, %masked_sort3A_215 : vector<16xi1>, vector<16xf32>
        %select_n3A_222 = arith.select %ge3A, %get3A_220, %masked_sort3A_216 : vector<16xi1>, vector<16xf32>
        %masked_sort3A_223 = arith.constant dense<true> : vector<16xi1>
        %masked_sort3A_224, %masked_sort3A_225, %masked_sort3A_226 = tpu.sort %select_n3A_221, %select_n3A_222 masked %masked_sort3A_223 {descending = true} : (vector<16xf32>, vector<16xf32>, vector<16xi1>) -> (vector<16xi1>, vector<16xf32>, vector<16xf32>)
        %swap3A_227 = arith.constant 0 : index
        %swap3A_228 = tpu.vector_load %arg8[%swap3A_227] {strides = array<i32>} : memref<16xf32, #tpu.memory_space<vmem>>, vector<16xf32>,
        tpu.vector_store %arg8[%swap3A_227], %masked_sort3A_225 {strides = array<i32>} : memref<16xf32, #tpu.memory_space<vmem>>, vector<16xf32>,
        %swap3A_229 = arith.constant 0 : index
        %swap3A_230 = tpu.vector_load %arg9[%swap3A_229] {strides = array<i32>} : memref<16xf32, #tpu.memory_space<vmem>>, vector<16xf32>,
        tpu.vector_store %arg9[%swap3A_229], %masked_sort3A_226 {strides = array<i32>} : memref<16xf32, #tpu.memory_space<vmem>>, vector<16xf32>,
        %scan3A_231 = arith.constant 0 : i32
        scf.yield %scan3A_231 : i32
      }
      %scan3A_30 = arith.constant 128 : i32
      %get3A = arith.constant 0 : index
      %get3A_31 = tpu.vector_load %arg7[%get3A] {strides = array<i32>} : memref<16xf32, #tpu.memory_space<vmem>>, vector<16xf32>,
      %get3A_32 = arith.constant 0 : index
      %get3A_33 = tpu.vector_load %arg9[%get3A_32] {strides = array<i32>} : memref<16xf32, #tpu.memory_space<vmem>>, vector<16xf32>,
      %jit3A = arith.constant 0.000000e+00 : f32
      %broadcast_in_dim3A_34 = vector.broadcast %jit3A : f32 to vector<16xf32>
      %select_n3A = arith.select %lt3A_4, %get3A_33, %broadcast_in_dim3A_34 : vector<16xi1>, vector<16xf32>
      %add3A_35 = arith.addf %get3A_31, %select_n3A : vector<16xf32>
      %swap3A_36 = arith.constant 0 : index
      %swap3A_37 = tpu.vector_load %arg7[%swap3A_36] {strides = array<i32>} : memref<16xf32, #tpu.memory_space<vmem>>, vector<16xf32>,
      tpu.vector_store %arg7[%swap3A_36], %add3A_35 {strides = array<i32>} : memref<16xf32, #tpu.memory_space<vmem>>, vector<16xf32>,
      %broadcast_in_dim3A_38 = arith.constant -1.000000e+30 : f32
      %broadcast_in_dim3A_39 = vector.broadcast %broadcast_in_dim3A_38 : f32 to vector<16xf32>
      %swap3A_40 = arith.constant 0 : index
      %swap3A_41 = tpu.vector_load %arg8[%swap3A_40] {strides = array<i32>} : memref<16xf32, #tpu.memory_space<vmem>>, vector<16xf32>,
      tpu.vector_store %arg8[%swap3A_40], %broadcast_in_dim3A_39 {strides = array<i32>} : memref<16xf32, #tpu.memory_space<vmem>>, vector<16xf32>,
      %swap3A_42 = arith.constant 0 : index
      %swap3A_43 = tpu.vector_load %arg9[%swap3A_42] {strides = array<i32>} : memref<16xf32, #tpu.memory_space<vmem>>, vector<16xf32>,
      tpu.vector_store %arg9[%swap3A_42], %broadcast_in_dim3A_5 {strides = array<i32>} : memref<16xf32, #tpu.memory_space<vmem>>, vector<16xf32>,
      %scan3A_44 = arith.constant 0 : i32
      %scan3A_45 = arith.constant 0 : i32
      %scan3A_46 = arith.constant 128 : i32
      %scan3A_47 = arith.addi %scan3A_45, %scan3A_46 : i32
      %scan3A_48 = arith.constant 1 : i32
      %scan3A_49 = scf.for %scan3A_200 = %scan3A_45 to %scan3A_47 step %scan3A_48 iter_args(%scan3A_201 = %scan3A_44) -> (i32)  : i32 {
        %mul3A_202 = arith.constant 16 : i32
        %mul3A_203 = arith.muli %scan3A_200, %mul3A_202 : i32
        %get3A_204 = arith.constant 1 : i32
        %get3A_205 = arith.index_cast %get3A_204 : i32 to index
        %get3A_206 = arith.index_cast %mul3A_203 : i32 to index
        %get3A_207 = tpu.vector_load %arg5[%get3A_205, %get3A_206] {strides = array<i32>} : memref<8x2048xf32, #tpu.memory_space<vmem>>, vector<16xf32>,
        %mul3A_208 = arith.constant 16 : i32
        %mul3A_209 = arith.muli %scan3A_200, %mul3A_208 : i32
        %get3A_210 = arith.constant 1 : i32
        %get3A_211 = arith.index_cast %get3A_210 : i32 to index
        %get3A_212 = arith.index_cast %mul3A_209 : i32 to index
        %get3A_213 = tpu.vector_load %arg6[%get3A_211, %get3A_212] {strides = array<i32>} : memref<8x2048xf32, #tpu.memory_space<vmem>>, vector<16xf32>,
        %masked_sort3A = arith.constant dense<true> : vector<16xi1>
        %masked_sort3A_214, %masked_sort3A_215, %masked_sort3A_216 = tpu.sort %get3A_207, %get3A_213 masked %masked_sort3A : (vector<16xf32>, vector<16xf32>, vector<16xi1>) -> (vector<16xi1>, vector<16xf32>, vector<16xf32>)
        %get3A_217 = arith.constant 0 : index
        %get3A_218 = tpu.vector_load %arg8[%get3A_217] {strides = array<i32>} : memref<16xf32, #tpu.memory_space<vmem>>, vector<16xf32>,
        %get3A_219 = arith.constant 0 : index
        %get3A_220 = tpu.vector_load %arg9[%get3A_219] {strides = array<i32>} : memref<16xf32, #tpu.memory_space<vmem>>, vector<16xf32>,
        %ge3A = arith.cmpf oge, %get3A_218, %masked_sort3A_215 : vector<16xf32>
        %select_n3A_221 = arith.select %ge3A, %get3A_218, %masked_sort3A_215 : vector<16xi1>, vector<16xf32>
        %select_n3A_222 = arith.select %ge3A, %get3A_220, %masked_sort3A_216 : vector<16xi1>, vector<16xf32>
        %masked_sort3A_223 = arith.constant dense<true> : vector<16xi1>
        %masked_sort3A_224, %masked_sort3A_225, %masked_sort3A_226 = tpu.sort %select_n3A_221, %select_n3A_222 masked %masked_sort3A_223 {descending = true} : (vector<16xf32>, vector<16xf32>, vector<16xi1>) -> (vector<16xi1>, vector<16xf32>, vector<16xf32>)
        %swap3A_227 = arith.constant 0 : index
        %swap3A_228 = tpu.vector_load %arg8[%swap3A_227] {strides = array<i32>} : memref<16xf32, #tpu.memory_space<vmem>>, vector<16xf32>,
        tpu.vector_store %arg8[%swap3A_227], %masked_sort3A_225 {strides = array<i32>} : memref<16xf32, #tpu.memory_space<vmem>>, vector<16xf32>,
        %swap3A_229 = arith.constant 0 : index
        %swap3A_230 = tpu.vector_load %arg9[%swap3A_229] {strides = array<i32>} : memref<16xf32, #tpu.memory_space<vmem>>, vector<16xf32>,
        tpu.vector_store %arg9[%swap3A_229], %masked_sort3A_226 {strides = array<i32>} : memref<16xf32, #tpu.memory_space<vmem>>, vector<16xf32>,
        %scan3A_231 = arith.constant 0 : i32
        scf.yield %scan3A_231 : i32
      }
      %scan3A_50 = arith.constant 128 : i32
      %get3A_51 = arith.constant 0 : index
      %get3A_52 = tpu.vector_load %arg7[%get3A_51] {strides = array<i32>} : memref<16xf32, #tpu.memory_space<vmem>>, vector<16xf32>,
      %get3A_53 = arith.constant 0 : index
      %get3A_54 = tpu.vector_load %arg9[%get3A_53] {strides = array<i32>} : memref<16xf32, #tpu.memory_space<vmem>>, vector<16xf32>,
      %jit3A_55 = arith.constant 0.000000e+00 : f32
      %broadcast_in_dim3A_56 = vector.broadcast %jit3A_55 : f32 to vector<16xf32>
      %select_n3A_57 = arith.select %lt3A_4, %get3A_54, %broadcast_in_dim3A_56 : vector<16xi1>, vector<16xf32>
      %add3A_58 = arith.addf %get3A_52, %select_n3A_57 : vector<16xf32>
      %swap3A_59 = arith.constant 0 : index
      %swap3A_60 = tpu.vector_load %arg7[%swap3A_59] {strides = array<i32>} : memref<16xf32, #tpu.memory_space<vmem>>, vector<16xf32>,
      tpu.vector_store %arg7[%swap3A_59], %add3A_58 {strides = array<i32>} : memref<16xf32, #tpu.memory_space<vmem>>, vector<16xf32>,
      %broadcast_in_dim3A_61 = arith.constant -1.000000e+30 : f32
      %broadcast_in_dim3A_62 = vector.broadcast %broadcast_in_dim3A_61 : f32 to vector<16xf32>
      %swap3A_63 = arith.constant 0 : index
      %swap3A_64 = tpu.vector_load %arg8[%swap3A_63] {strides = array<i32>} : memref<16xf32, #tpu.memory_space<vmem>>, vector<16xf32>,
      tpu.vector_store %arg8[%swap3A_63], %broadcast_in_dim3A_62 {strides = array<i32>} : memref<16xf32, #tpu.memory_space<vmem>>, vector<16xf32>,
      %swap3A_65 = arith.constant 0 : index
      %swap3A_66 = tpu.vector_load %arg9[%swap3A_65] {strides = array<i32>} : memref<16xf32, #tpu.memory_space<vmem>>, vector<16xf32>,
      tpu.vector_store %arg9[%swap3A_65], %broadcast_in_dim3A_5 {strides = array<i32>} : memref<16xf32, #tpu.memory_space<vmem>>, vector<16xf32>,
      %scan3A_67 = arith.constant 0 : i32
      %scan3A_68 = arith.constant 0 : i32
      %scan3A_69 = arith.constant 128 : i32
      %scan3A_70 = arith.addi %scan3A_68, %scan3A_69 : i32
      %scan3A_71 = arith.constant 1 : i32
      %scan3A_72 = scf.for %scan3A_200 = %scan3A_68 to %scan3A_70 step %scan3A_71 iter_args(%scan3A_201 = %scan3A_67) -> (i32)  : i32 {
        %mul3A_202 = arith.constant 16 : i32
        %mul3A_203 = arith.muli %scan3A_200, %mul3A_202 : i32
        %get3A_204 = arith.constant 2 : i32
        %get3A_205 = arith.index_cast %get3A_204 : i32 to index
        %get3A_206 = arith.index_cast %mul3A_203 : i32 to index
        %get3A_207 = tpu.vector_load %arg5[%get3A_205, %get3A_206] {strides = array<i32>} : memref<8x2048xf32, #tpu.memory_space<vmem>>, vector<16xf32>,
        %mul3A_208 = arith.constant 16 : i32
        %mul3A_209 = arith.muli %scan3A_200, %mul3A_208 : i32
        %get3A_210 = arith.constant 2 : i32
        %get3A_211 = arith.index_cast %get3A_210 : i32 to index
        %get3A_212 = arith.index_cast %mul3A_209 : i32 to index
        %get3A_213 = tpu.vector_load %arg6[%get3A_211, %get3A_212] {strides = array<i32>} : memref<8x2048xf32, #tpu.memory_space<vmem>>, vector<16xf32>,
        %masked_sort3A = arith.constant dense<true> : vector<16xi1>
        %masked_sort3A_214, %masked_sort3A_215, %masked_sort3A_216 = tpu.sort %get3A_207, %get3A_213 masked %masked_sort3A : (vector<16xf32>, vector<16xf32>, vector<16xi1>) -> (vector<16xi1>, vector<16xf32>, vector<16xf32>)
        %get3A_217 = arith.constant 0 : index
        %get3A_218 = tpu.vector_load %arg8[%get3A_217] {strides = array<i32>} : memref<16xf32, #tpu.memory_space<vmem>>, vector<16xf32>,
        %get3A_219 = arith.constant 0 : index
        %get3A_220 = tpu.vector_load %arg9[%get3A_219] {strides = array<i32>} : memref<16xf32, #tpu.memory_space<vmem>>, vector<16xf32>,
        %ge3A = arith.cmpf oge, %get3A_218, %masked_sort3A_215 : vector<16xf32>
        %select_n3A_221 = arith.select %ge3A, %get3A_218, %masked_sort3A_215 : vector<16xi1>, vector<16xf32>
        %select_n3A_222 = arith.select %ge3A, %get3A_220, %masked_sort3A_216 : vector<16xi1>, vector<16xf32>
        %masked_sort3A_223 = arith.constant dense<true> : vector<16xi1>
        %masked_sort3A_224, %masked_sort3A_225, %masked_sort3A_226 = tpu.sort %select_n3A_221, %select_n3A_222 masked %masked_sort3A_223 {descending = true} : (vector<16xf32>, vector<16xf32>, vector<16xi1>) -> (vector<16xi1>, vector<16xf32>, vector<16xf32>)
        %swap3A_227 = arith.constant 0 : index
        %swap3A_228 = tpu.vector_load %arg8[%swap3A_227] {strides = array<i32>} : memref<16xf32, #tpu.memory_space<vmem>>, vector<16xf32>,
        tpu.vector_store %arg8[%swap3A_227], %masked_sort3A_225 {strides = array<i32>} : memref<16xf32, #tpu.memory_space<vmem>>, vector<16xf32>,
        %swap3A_229 = arith.constant 0 : index
        %swap3A_230 = tpu.vector_load %arg9[%swap3A_229] {strides = array<i32>} : memref<16xf32, #tpu.memory_space<vmem>>, vector<16xf32>,
        tpu.vector_store %arg9[%swap3A_229], %masked_sort3A_226 {strides = array<i32>} : memref<16xf32, #tpu.memory_space<vmem>>, vector<16xf32>,
        %scan3A_231 = arith.constant 0 : i32
        scf.yield %scan3A_231 : i32
      }
      %scan3A_73 = arith.constant 128 : i32
      %get3A_74 = arith.constant 0 : index
      %get3A_75 = tpu.vector_load %arg7[%get3A_74] {strides = array<i32>} : memref<16xf32, #tpu.memory_space<vmem>>, vector<16xf32>,
      %get3A_76 = arith.constant 0 : index
      %get3A_77 = tpu.vector_load %arg9[%get3A_76] {strides = array<i32>} : memref<16xf32, #tpu.memory_space<vmem>>, vector<16xf32>,
      %jit3A_78 = arith.constant 0.000000e+00 : f32
      %broadcast_in_dim3A_79 = vector.broadcast %jit3A_78 : f32 to vector<16xf32>
      %select_n3A_80 = arith.select %lt3A_4, %get3A_77, %broadcast_in_dim3A_79 : vector<16xi1>, vector<16xf32>
      %add3A_81 = arith.addf %get3A_75, %select_n3A_80 : vector<16xf32>
      %swap3A_82 = arith.constant 0 : index
      %swap3A_83 = tpu.vector_load %arg7[%swap3A_82] {strides = array<i32>} : memref<16xf32, #tpu.memory_space<vmem>>, vector<16xf32>,
      tpu.vector_store %arg7[%swap3A_82], %add3A_81 {strides = array<i32>} : memref<16xf32, #tpu.memory_space<vmem>>, vector<16xf32>,
      %broadcast_in_dim3A_84 = arith.constant -1.000000e+30 : f32
      %broadcast_in_dim3A_85 = vector.broadcast %broadcast_in_dim3A_84 : f32 to vector<16xf32>
      %swap3A_86 = arith.constant 0 : index
      %swap3A_87 = tpu.vector_load %arg8[%swap3A_86] {strides = array<i32>} : memref<16xf32, #tpu.memory_space<vmem>>, vector<16xf32>,
      tpu.vector_store %arg8[%swap3A_86], %broadcast_in_dim3A_85 {strides = array<i32>} : memref<16xf32, #tpu.memory_space<vmem>>, vector<16xf32>,
      %swap3A_88 = arith.constant 0 : index
      %swap3A_89 = tpu.vector_load %arg9[%swap3A_88] {strides = array<i32>} : memref<16xf32, #tpu.memory_space<vmem>>, vector<16xf32>,
      tpu.vector_store %arg9[%swap3A_88], %broadcast_in_dim3A_5 {strides = array<i32>} : memref<16xf32, #tpu.memory_space<vmem>>, vector<16xf32>,
      %scan3A_90 = arith.constant 0 : i32
      %scan3A_91 = arith.constant 0 : i32
      %scan3A_92 = arith.constant 128 : i32
      %scan3A_93 = arith.addi %scan3A_91, %scan3A_92 : i32
      %scan3A_94 = arith.constant 1 : i32
      %scan3A_95 = scf.for %scan3A_200 = %scan3A_91 to %scan3A_93 step %scan3A_94 iter_args(%scan3A_201 = %scan3A_90) -> (i32)  : i32 {
        %mul3A_202 = arith.constant 16 : i32
        %mul3A_203 = arith.muli %scan3A_200, %mul3A_202 : i32
        %get3A_204 = arith.constant 3 : i32
        %get3A_205 = arith.index_cast %get3A_204 : i32 to index
        %get3A_206 = arith.index_cast %mul3A_203 : i32 to index
        %get3A_207 = tpu.vector_load %arg5[%get3A_205, %get3A_206] {strides = array<i32>} : memref<8x2048xf32, #tpu.memory_space<vmem>>, vector<16xf32>,
        %mul3A_208 = arith.constant 16 : i32
        %mul3A_209 = arith.muli %scan3A_200, %mul3A_208 : i32
        %get3A_210 = arith.constant 3 : i32
        %get3A_211 = arith.index_cast %get3A_210 : i32 to index
        %get3A_212 = arith.index_cast %mul3A_209 : i32 to index
        %get3A_213 = tpu.vector_load %arg6[%get3A_211, %get3A_212] {strides = array<i32>} : memref<8x2048xf32, #tpu.memory_space<vmem>>, vector<16xf32>,
        %masked_sort3A = arith.constant dense<true> : vector<16xi1>
        %masked_sort3A_214, %masked_sort3A_215, %masked_sort3A_216 = tpu.sort %get3A_207, %get3A_213 masked %masked_sort3A : (vector<16xf32>, vector<16xf32>, vector<16xi1>) -> (vector<16xi1>, vector<16xf32>, vector<16xf32>)
        %get3A_217 = arith.constant 0 : index
        %get3A_218 = tpu.vector_load %arg8[%get3A_217] {strides = array<i32>} : memref<16xf32, #tpu.memory_space<vmem>>, vector<16xf32>,
        %get3A_219 = arith.constant 0 : index
        %get3A_220 = tpu.vector_load %arg9[%get3A_219] {strides = array<i32>} : memref<16xf32, #tpu.memory_space<vmem>>, vector<16xf32>,
        %ge3A = arith.cmpf oge, %get3A_218, %masked_sort3A_215 : vector<16xf32>
        %select_n3A_221 = arith.select %ge3A, %get3A_218, %masked_sort3A_215 : vector<16xi1>, vector<16xf32>
        %select_n3A_222 = arith.select %ge3A, %get3A_220, %masked_sort3A_216 : vector<16xi1>, vector<16xf32>
        %masked_sort3A_223 = arith.constant dense<true> : vector<16xi1>
        %masked_sort3A_224, %masked_sort3A_225, %masked_sort3A_226 = tpu.sort %select_n3A_221, %select_n3A_222 masked %masked_sort3A_223 {descending = true} : (vector<16xf32>, vector<16xf32>, vector<16xi1>) -> (vector<16xi1>, vector<16xf32>, vector<16xf32>)
        %swap3A_227 = arith.constant 0 : index
        %swap3A_228 = tpu.vector_load %arg8[%swap3A_227] {strides = array<i32>} : memref<16xf32, #tpu.memory_space<vmem>>, vector<16xf32>,
        tpu.vector_store %arg8[%swap3A_227], %masked_sort3A_225 {strides = array<i32>} : memref<16xf32, #tpu.memory_space<vmem>>, vector<16xf32>,
        %swap3A_229 = arith.constant 0 : index
        %swap3A_230 = tpu.vector_load %arg9[%swap3A_229] {strides = array<i32>} : memref<16xf32, #tpu.memory_space<vmem>>, vector<16xf32>,
        tpu.vector_store %arg9[%swap3A_229], %masked_sort3A_226 {strides = array<i32>} : memref<16xf32, #tpu.memory_space<vmem>>, vector<16xf32>,
        %scan3A_231 = arith.constant 0 : i32
        scf.yield %scan3A_231 : i32
      }
      %scan3A_96 = arith.constant 128 : i32
      %get3A_97 = arith.constant 0 : index
      %get3A_98 = tpu.vector_load %arg7[%get3A_97] {strides = array<i32>} : memref<16xf32, #tpu.memory_space<vmem>>, vector<16xf32>,
      %get3A_99 = arith.constant 0 : index
      %get3A_100 = tpu.vector_load %arg9[%get3A_99] {strides = array<i32>} : memref<16xf32, #tpu.memory_space<vmem>>, vector<16xf32>,
      %jit3A_101 = arith.constant 0.000000e+00 : f32
      %broadcast_in_dim3A_102 = vector.broadcast %jit3A_101 : f32 to vector<16xf32>
      %select_n3A_103 = arith.select %lt3A_4, %get3A_100, %broadcast_in_dim3A_102 : vector<16xi1>, vector<16xf32>
      %add3A_104 = arith.addf %get3A_98, %select_n3A_103 : vector<16xf32>
      %swap3A_105 = arith.constant 0 : index
      %swap3A_106 = tpu.vector_load %arg7[%swap3A_105] {strides = array<i32>} : memref<16xf32, #tpu.memory_space<vmem>>, vector<16xf32>,
      tpu.vector_store %arg7[%swap3A_105], %add3A_104 {strides = array<i32>} : memref<16xf32, #tpu.memory_space<vmem>>, vector<16xf32>,
      %broadcast_in_dim3A_107 = arith.constant -1.000000e+30 : f32
      %broadcast_in_dim3A_108 = vector.broadcast %broadcast_in_dim3A_107 : f32 to vector<16xf32>
      %swap3A_109 = arith.constant 0 : index
      %swap3A_110 = tpu.vector_load %arg8[%swap3A_109] {strides = array<i32>} : memref<16xf32, #tpu.memory_space<vmem>>, vector<16xf32>,
      tpu.vector_store %arg8[%swap3A_109], %broadcast_in_dim3A_108 {strides = array<i32>} : memref<16xf32, #tpu.memory_space<vmem>>, vector<16xf32>,
      %swap3A_111 = arith.constant 0 : index
      %swap3A_112 = tpu.vector_load %arg9[%swap3A_111] {strides = array<i32>} : memref<16xf32, #tpu.memory_space<vmem>>, vector<16xf32>,
      tpu.vector_store %arg9[%swap3A_111], %broadcast_in_dim3A_5 {strides = array<i32>} : memref<16xf32, #tpu.memory_space<vmem>>, vector<16xf32>,
      %scan3A_113 = arith.constant 0 : i32
      %scan3A_114 = arith.constant 0 : i32
      %scan3A_115 = arith.constant 128 : i32
      %scan3A_116 = arith.addi %scan3A_114, %scan3A_115 : i32
      %scan3A_117 = arith.constant 1 : i32
      %scan3A_118 = scf.for %scan3A_200 = %scan3A_114 to %scan3A_116 step %scan3A_117 iter_args(%scan3A_201 = %scan3A_113) -> (i32)  : i32 {
        %mul3A_202 = arith.constant 16 : i32
        %mul3A_203 = arith.muli %scan3A_200, %mul3A_202 : i32
        %get3A_204 = arith.constant 4 : i32
        %get3A_205 = arith.index_cast %get3A_204 : i32 to index
        %get3A_206 = arith.index_cast %mul3A_203 : i32 to index
        %get3A_207 = tpu.vector_load %arg5[%get3A_205, %get3A_206] {strides = array<i32>} : memref<8x2048xf32, #tpu.memory_space<vmem>>, vector<16xf32>,
        %mul3A_208 = arith.constant 16 : i32
        %mul3A_209 = arith.muli %scan3A_200, %mul3A_208 : i32
        %get3A_210 = arith.constant 4 : i32
        %get3A_211 = arith.index_cast %get3A_210 : i32 to index
        %get3A_212 = arith.index_cast %mul3A_209 : i32 to index
        %get3A_213 = tpu.vector_load %arg6[%get3A_211, %get3A_212] {strides = array<i32>} : memref<8x2048xf32, #tpu.memory_space<vmem>>, vector<16xf32>,
        %masked_sort3A = arith.constant dense<true> : vector<16xi1>
        %masked_sort3A_214, %masked_sort3A_215, %masked_sort3A_216 = tpu.sort %get3A_207, %get3A_213 masked %masked_sort3A : (vector<16xf32>, vector<16xf32>, vector<16xi1>) -> (vector<16xi1>, vector<16xf32>, vector<16xf32>)
        %get3A_217 = arith.constant 0 : index
        %get3A_218 = tpu.vector_load %arg8[%get3A_217] {strides = array<i32>} : memref<16xf32, #tpu.memory_space<vmem>>, vector<16xf32>,
        %get3A_219 = arith.constant 0 : index
        %get3A_220 = tpu.vector_load %arg9[%get3A_219] {strides = array<i32>} : memref<16xf32, #tpu.memory_space<vmem>>, vector<16xf32>,
        %ge3A = arith.cmpf oge, %get3A_218, %masked_sort3A_215 : vector<16xf32>
        %select_n3A_221 = arith.select %ge3A, %get3A_218, %masked_sort3A_215 : vector<16xi1>, vector<16xf32>
        %select_n3A_222 = arith.select %ge3A, %get3A_220, %masked_sort3A_216 : vector<16xi1>, vector<16xf32>
        %masked_sort3A_223 = arith.constant dense<true> : vector<16xi1>
        %masked_sort3A_224, %masked_sort3A_225, %masked_sort3A_226 = tpu.sort %select_n3A_221, %select_n3A_222 masked %masked_sort3A_223 {descending = true} : (vector<16xf32>, vector<16xf32>, vector<16xi1>) -> (vector<16xi1>, vector<16xf32>, vector<16xf32>)
        %swap3A_227 = arith.constant 0 : index
        %swap3A_228 = tpu.vector_load %arg8[%swap3A_227] {strides = array<i32>} : memref<16xf32, #tpu.memory_space<vmem>>, vector<16xf32>,
        tpu.vector_store %arg8[%swap3A_227], %masked_sort3A_225 {strides = array<i32>} : memref<16xf32, #tpu.memory_space<vmem>>, vector<16xf32>,
        %swap3A_229 = arith.constant 0 : index
        %swap3A_230 = tpu.vector_load %arg9[%swap3A_229] {strides = array<i32>} : memref<16xf32, #tpu.memory_space<vmem>>, vector<16xf32>,
        tpu.vector_store %arg9[%swap3A_229], %masked_sort3A_226 {strides = array<i32>} : memref<16xf32, #tpu.memory_space<vmem>>, vector<16xf32>,
        %scan3A_231 = arith.constant 0 : i32
        scf.yield %scan3A_231 : i32
      }
      %scan3A_119 = arith.constant 128 : i32
      %get3A_120 = arith.constant 0 : index
      %get3A_121 = tpu.vector_load %arg7[%get3A_120] {strides = array<i32>} : memref<16xf32, #tpu.memory_space<vmem>>, vector<16xf32>,
      %get3A_122 = arith.constant 0 : index
      %get3A_123 = tpu.vector_load %arg9[%get3A_122] {strides = array<i32>} : memref<16xf32, #tpu.memory_space<vmem>>, vector<16xf32>,
      %jit3A_124 = arith.constant 0.000000e+00 : f32
      %broadcast_in_dim3A_125 = vector.broadcast %jit3A_124 : f32 to vector<16xf32>
      %select_n3A_126 = arith.select %lt3A_4, %get3A_123, %broadcast_in_dim3A_125 : vector<16xi1>, vector<16xf32>
      %add3A_127 = arith.addf %get3A_121, %select_n3A_126 : vector<16xf32>
      %swap3A_128 = arith.constant 0 : index
      %swap3A_129 = tpu.vector_load %arg7[%swap3A_128] {strides = array<i32>} : memref<16xf32, #tpu.memory_space<vmem>>, vector<16xf32>,
      tpu.vector_store %arg7[%swap3A_128], %add3A_127 {strides = array<i32>} : memref<16xf32, #tpu.memory_space<vmem>>, vector<16xf32>,
      %broadcast_in_dim3A_130 = arith.constant -1.000000e+30 : f32
      %broadcast_in_dim3A_131 = vector.broadcast %broadcast_in_dim3A_130 : f32 to vector<16xf32>
      %swap3A_132 = arith.constant 0 : index
      %swap3A_133 = tpu.vector_load %arg8[%swap3A_132] {strides = array<i32>} : memref<16xf32, #tpu.memory_space<vmem>>, vector<16xf32>,
      tpu.vector_store %arg8[%swap3A_132], %broadcast_in_dim3A_131 {strides = array<i32>} : memref<16xf32, #tpu.memory_space<vmem>>, vector<16xf32>,
      %swap3A_134 = arith.constant 0 : index
      %swap3A_135 = tpu.vector_load %arg9[%swap3A_134] {strides = array<i32>} : memref<16xf32, #tpu.memory_space<vmem>>, vector<16xf32>,
      tpu.vector_store %arg9[%swap3A_134], %broadcast_in_dim3A_5 {strides = array<i32>} : memref<16xf32, #tpu.memory_space<vmem>>, vector<16xf32>,
      %scan3A_136 = arith.constant 0 : i32
      %scan3A_137 = arith.constant 0 : i32
      %scan3A_138 = arith.constant 128 : i32
      %scan3A_139 = arith.addi %scan3A_137, %scan3A_138 : i32
      %scan3A_140 = arith.constant 1 : i32
      %scan3A_141 = scf.for %scan3A_200 = %scan3A_137 to %scan3A_139 step %scan3A_140 iter_args(%scan3A_201 = %scan3A_136) -> (i32)  : i32 {
        %mul3A_202 = arith.constant 16 : i32
        %mul3A_203 = arith.muli %scan3A_200, %mul3A_202 : i32
        %get3A_204 = arith.constant 5 : i32
        %get3A_205 = arith.index_cast %get3A_204 : i32 to index
        %get3A_206 = arith.index_cast %mul3A_203 : i32 to index
        %get3A_207 = tpu.vector_load %arg5[%get3A_205, %get3A_206] {strides = array<i32>} : memref<8x2048xf32, #tpu.memory_space<vmem>>, vector<16xf32>,
        %mul3A_208 = arith.constant 16 : i32
        %mul3A_209 = arith.muli %scan3A_200, %mul3A_208 : i32
        %get3A_210 = arith.constant 5 : i32
        %get3A_211 = arith.index_cast %get3A_210 : i32 to index
        %get3A_212 = arith.index_cast %mul3A_209 : i32 to index
        %get3A_213 = tpu.vector_load %arg6[%get3A_211, %get3A_212] {strides = array<i32>} : memref<8x2048xf32, #tpu.memory_space<vmem>>, vector<16xf32>,
        %masked_sort3A = arith.constant dense<true> : vector<16xi1>
        %masked_sort3A_214, %masked_sort3A_215, %masked_sort3A_216 = tpu.sort %get3A_207, %get3A_213 masked %masked_sort3A : (vector<16xf32>, vector<16xf32>, vector<16xi1>) -> (vector<16xi1>, vector<16xf32>, vector<16xf32>)
        %get3A_217 = arith.constant 0 : index
        %get3A_218 = tpu.vector_load %arg8[%get3A_217] {strides = array<i32>} : memref<16xf32, #tpu.memory_space<vmem>>, vector<16xf32>,
        %get3A_219 = arith.constant 0 : index
        %get3A_220 = tpu.vector_load %arg9[%get3A_219] {strides = array<i32>} : memref<16xf32, #tpu.memory_space<vmem>>, vector<16xf32>,
        %ge3A = arith.cmpf oge, %get3A_218, %masked_sort3A_215 : vector<16xf32>
        %select_n3A_221 = arith.select %ge3A, %get3A_218, %masked_sort3A_215 : vector<16xi1>, vector<16xf32>
        %select_n3A_222 = arith.select %ge3A, %get3A_220, %masked_sort3A_216 : vector<16xi1>, vector<16xf32>
        %masked_sort3A_223 = arith.constant dense<true> : vector<16xi1>
        %masked_sort3A_224, %masked_sort3A_225, %masked_sort3A_226 = tpu.sort %select_n3A_221, %select_n3A_222 masked %masked_sort3A_223 {descending = true} : (vector<16xf32>, vector<16xf32>, vector<16xi1>) -> (vector<16xi1>, vector<16xf32>, vector<16xf32>)
        %swap3A_227 = arith.constant 0 : index
        %swap3A_228 = tpu.vector_load %arg8[%swap3A_227] {strides = array<i32>} : memref<16xf32, #tpu.memory_space<vmem>>, vector<16xf32>,
        tpu.vector_store %arg8[%swap3A_227], %masked_sort3A_225 {strides = array<i32>} : memref<16xf32, #tpu.memory_space<vmem>>, vector<16xf32>,
        %swap3A_229 = arith.constant 0 : index
        %swap3A_230 = tpu.vector_load %arg9[%swap3A_229] {strides = array<i32>} : memref<16xf32, #tpu.memory_space<vmem>>, vector<16xf32>,
        tpu.vector_store %arg9[%swap3A_229], %masked_sort3A_226 {strides = array<i32>} : memref<16xf32, #tpu.memory_space<vmem>>, vector<16xf32>,
        %scan3A_231 = arith.constant 0 : i32
        scf.yield %scan3A_231 : i32
      }
      %scan3A_142 = arith.constant 128 : i32
      %get3A_143 = arith.constant 0 : index
      %get3A_144 = tpu.vector_load %arg7[%get3A_143] {strides = array<i32>} : memref<16xf32, #tpu.memory_space<vmem>>, vector<16xf32>,
      %get3A_145 = arith.constant 0 : index
      %get3A_146 = tpu.vector_load %arg9[%get3A_145] {strides = array<i32>} : memref<16xf32, #tpu.memory_space<vmem>>, vector<16xf32>,
      %jit3A_147 = arith.constant 0.000000e+00 : f32
      %broadcast_in_dim3A_148 = vector.broadcast %jit3A_147 : f32 to vector<16xf32>
      %select_n3A_149 = arith.select %lt3A_4, %get3A_146, %broadcast_in_dim3A_148 : vector<16xi1>, vector<16xf32>
      %add3A_150 = arith.addf %get3A_144, %select_n3A_149 : vector<16xf32>
      %swap3A_151 = arith.constant 0 : index
      %swap3A_152 = tpu.vector_load %arg7[%swap3A_151] {strides = array<i32>} : memref<16xf32, #tpu.memory_space<vmem>>, vector<16xf32>,
      tpu.vector_store %arg7[%swap3A_151], %add3A_150 {strides = array<i32>} : memref<16xf32, #tpu.memory_space<vmem>>, vector<16xf32>,
      %broadcast_in_dim3A_153 = arith.constant -1.000000e+30 : f32
      %broadcast_in_dim3A_154 = vector.broadcast %broadcast_in_dim3A_153 : f32 to vector<16xf32>
      %swap3A_155 = arith.constant 0 : index
      %swap3A_156 = tpu.vector_load %arg8[%swap3A_155] {strides = array<i32>} : memref<16xf32, #tpu.memory_space<vmem>>, vector<16xf32>,
      tpu.vector_store %arg8[%swap3A_155], %broadcast_in_dim3A_154 {strides = array<i32>} : memref<16xf32, #tpu.memory_space<vmem>>, vector<16xf32>,
      %swap3A_157 = arith.constant 0 : index
      %swap3A_158 = tpu.vector_load %arg9[%swap3A_157] {strides = array<i32>} : memref<16xf32, #tpu.memory_space<vmem>>, vector<16xf32>,
      tpu.vector_store %arg9[%swap3A_157], %broadcast_in_dim3A_5 {strides = array<i32>} : memref<16xf32, #tpu.memory_space<vmem>>, vector<16xf32>,
      %scan3A_159 = arith.constant 0 : i32
      %scan3A_160 = arith.constant 0 : i32
      %scan3A_161 = arith.constant 128 : i32
      %scan3A_162 = arith.addi %scan3A_160, %scan3A_161 : i32
      %scan3A_163 = arith.constant 1 : i32
      %scan3A_164 = scf.for %scan3A_200 = %scan3A_160 to %scan3A_162 step %scan3A_163 iter_args(%scan3A_201 = %scan3A_159) -> (i32)  : i32 {
        %mul3A_202 = arith.constant 16 : i32
        %mul3A_203 = arith.muli %scan3A_200, %mul3A_202 : i32
        %get3A_204 = arith.constant 6 : i32
        %get3A_205 = arith.index_cast %get3A_204 : i32 to index
        %get3A_206 = arith.index_cast %mul3A_203 : i32 to index
        %get3A_207 = tpu.vector_load %arg5[%get3A_205, %get3A_206] {strides = array<i32>} : memref<8x2048xf32, #tpu.memory_space<vmem>>, vector<16xf32>,
        %mul3A_208 = arith.constant 16 : i32
        %mul3A_209 = arith.muli %scan3A_200, %mul3A_208 : i32
        %get3A_210 = arith.constant 6 : i32
        %get3A_211 = arith.index_cast %get3A_210 : i32 to index
        %get3A_212 = arith.index_cast %mul3A_209 : i32 to index
        %get3A_213 = tpu.vector_load %arg6[%get3A_211, %get3A_212] {strides = array<i32>} : memref<8x2048xf32, #tpu.memory_space<vmem>>, vector<16xf32>,
        %masked_sort3A = arith.constant dense<true> : vector<16xi1>
        %masked_sort3A_214, %masked_sort3A_215, %masked_sort3A_216 = tpu.sort %get3A_207, %get3A_213 masked %masked_sort3A : (vector<16xf32>, vector<16xf32>, vector<16xi1>) -> (vector<16xi1>, vector<16xf32>, vector<16xf32>)
        %get3A_217 = arith.constant 0 : index
        %get3A_218 = tpu.vector_load %arg8[%get3A_217] {strides = array<i32>} : memref<16xf32, #tpu.memory_space<vmem>>, vector<16xf32>,
        %get3A_219 = arith.constant 0 : index
        %get3A_220 = tpu.vector_load %arg9[%get3A_219] {strides = array<i32>} : memref<16xf32, #tpu.memory_space<vmem>>, vector<16xf32>,
        %ge3A = arith.cmpf oge, %get3A_218, %masked_sort3A_215 : vector<16xf32>
        %select_n3A_221 = arith.select %ge3A, %get3A_218, %masked_sort3A_215 : vector<16xi1>, vector<16xf32>
        %select_n3A_222 = arith.select %ge3A, %get3A_220, %masked_sort3A_216 : vector<16xi1>, vector<16xf32>
        %masked_sort3A_223 = arith.constant dense<true> : vector<16xi1>
        %masked_sort3A_224, %masked_sort3A_225, %masked_sort3A_226 = tpu.sort %select_n3A_221, %select_n3A_222 masked %masked_sort3A_223 {descending = true} : (vector<16xf32>, vector<16xf32>, vector<16xi1>) -> (vector<16xi1>, vector<16xf32>, vector<16xf32>)
        %swap3A_227 = arith.constant 0 : index
        %swap3A_228 = tpu.vector_load %arg8[%swap3A_227] {strides = array<i32>} : memref<16xf32, #tpu.memory_space<vmem>>, vector<16xf32>,
        tpu.vector_store %arg8[%swap3A_227], %masked_sort3A_225 {strides = array<i32>} : memref<16xf32, #tpu.memory_space<vmem>>, vector<16xf32>,
        %swap3A_229 = arith.constant 0 : index
        %swap3A_230 = tpu.vector_load %arg9[%swap3A_229] {strides = array<i32>} : memref<16xf32, #tpu.memory_space<vmem>>, vector<16xf32>,
        tpu.vector_store %arg9[%swap3A_229], %masked_sort3A_226 {strides = array<i32>} : memref<16xf32, #tpu.memory_space<vmem>>, vector<16xf32>,
        %scan3A_231 = arith.constant 0 : i32
        scf.yield %scan3A_231 : i32
      }
      %scan3A_165 = arith.constant 128 : i32
      %get3A_166 = arith.constant 0 : index
      %get3A_167 = tpu.vector_load %arg7[%get3A_166] {strides = array<i32>} : memref<16xf32, #tpu.memory_space<vmem>>, vector<16xf32>,
      %get3A_168 = arith.constant 0 : index
      %get3A_169 = tpu.vector_load %arg9[%get3A_168] {strides = array<i32>} : memref<16xf32, #tpu.memory_space<vmem>>, vector<16xf32>,
      %jit3A_170 = arith.constant 0.000000e+00 : f32
      %broadcast_in_dim3A_171 = vector.broadcast %jit3A_170 : f32 to vector<16xf32>
      %select_n3A_172 = arith.select %lt3A_4, %get3A_169, %broadcast_in_dim3A_171 : vector<16xi1>, vector<16xf32>
      %add3A_173 = arith.addf %get3A_167, %select_n3A_172 : vector<16xf32>
      %swap3A_174 = arith.constant 0 : index
      %swap3A_175 = tpu.vector_load %arg7[%swap3A_174] {strides = array<i32>} : memref<16xf32, #tpu.memory_space<vmem>>, vector<16xf32>,
      tpu.vector_store %arg7[%swap3A_174], %add3A_173 {strides = array<i32>} : memref<16xf32, #tpu.memory_space<vmem>>, vector<16xf32>,
      %broadcast_in_dim3A_176 = arith.constant -1.000000e+30 : f32
      %broadcast_in_dim3A_177 = vector.broadcast %broadcast_in_dim3A_176 : f32 to vector<16xf32>
      %swap3A_178 = arith.constant 0 : index
      %swap3A_179 = tpu.vector_load %arg8[%swap3A_178] {strides = array<i32>} : memref<16xf32, #tpu.memory_space<vmem>>, vector<16xf32>,
      tpu.vector_store %arg8[%swap3A_178], %broadcast_in_dim3A_177 {strides = array<i32>} : memref<16xf32, #tpu.memory_space<vmem>>, vector<16xf32>,
      %swap3A_180 = arith.constant 0 : index
      %swap3A_181 = tpu.vector_load %arg9[%swap3A_180] {strides = array<i32>} : memref<16xf32, #tpu.memory_space<vmem>>, vector<16xf32>,
      tpu.vector_store %arg9[%swap3A_180], %broadcast_in_dim3A_5 {strides = array<i32>} : memref<16xf32, #tpu.memory_space<vmem>>, vector<16xf32>,
      %scan3A_182 = arith.constant 0 : i32
      %scan3A_183 = arith.constant 0 : i32
      %scan3A_184 = arith.constant 128 : i32
      %scan3A_185 = arith.addi %scan3A_183, %scan3A_184 : i32
      %scan3A_186 = arith.constant 1 : i32
      %scan3A_187 = scf.for %scan3A_200 = %scan3A_183 to %scan3A_185 step %scan3A_186 iter_args(%scan3A_201 = %scan3A_182) -> (i32)  : i32 {
        %mul3A_202 = arith.constant 16 : i32
        %mul3A_203 = arith.muli %scan3A_200, %mul3A_202 : i32
        %get3A_204 = arith.constant 7 : i32
        %get3A_205 = arith.index_cast %get3A_204 : i32 to index
        %get3A_206 = arith.index_cast %mul3A_203 : i32 to index
        %get3A_207 = tpu.vector_load %arg5[%get3A_205, %get3A_206] {strides = array<i32>} : memref<8x2048xf32, #tpu.memory_space<vmem>>, vector<16xf32>,
        %mul3A_208 = arith.constant 16 : i32
        %mul3A_209 = arith.muli %scan3A_200, %mul3A_208 : i32
        %get3A_210 = arith.constant 7 : i32
        %get3A_211 = arith.index_cast %get3A_210 : i32 to index
        %get3A_212 = arith.index_cast %mul3A_209 : i32 to index
        %get3A_213 = tpu.vector_load %arg6[%get3A_211, %get3A_212] {strides = array<i32>} : memref<8x2048xf32, #tpu.memory_space<vmem>>, vector<16xf32>,
        %masked_sort3A = arith.constant dense<true> : vector<16xi1>
        %masked_sort3A_214, %masked_sort3A_215, %masked_sort3A_216 = tpu.sort %get3A_207, %get3A_213 masked %masked_sort3A : (vector<16xf32>, vector<16xf32>, vector<16xi1>) -> (vector<16xi1>, vector<16xf32>, vector<16xf32>)
        %get3A_217 = arith.constant 0 : index
        %get3A_218 = tpu.vector_load %arg8[%get3A_217] {strides = array<i32>} : memref<16xf32, #tpu.memory_space<vmem>>, vector<16xf32>,
        %get3A_219 = arith.constant 0 : index
        %get3A_220 = tpu.vector_load %arg9[%get3A_219] {strides = array<i32>} : memref<16xf32, #tpu.memory_space<vmem>>, vector<16xf32>,
        %ge3A = arith.cmpf oge, %get3A_218, %masked_sort3A_215 : vector<16xf32>
        %select_n3A_221 = arith.select %ge3A, %get3A_218, %masked_sort3A_215 : vector<16xi1>, vector<16xf32>
        %select_n3A_222 = arith.select %ge3A, %get3A_220, %masked_sort3A_216 : vector<16xi1>, vector<16xf32>
        %masked_sort3A_223 = arith.constant dense<true> : vector<16xi1>
        %masked_sort3A_224, %masked_sort3A_225, %masked_sort3A_226 = tpu.sort %select_n3A_221, %select_n3A_222 masked %masked_sort3A_223 {descending = true} : (vector<16xf32>, vector<16xf32>, vector<16xi1>) -> (vector<16xi1>, vector<16xf32>, vector<16xf32>)
        %swap3A_227 = arith.constant 0 : index
        %swap3A_228 = tpu.vector_load %arg8[%swap3A_227] {strides = array<i32>} : memref<16xf32, #tpu.memory_space<vmem>>, vector<16xf32>,
        tpu.vector_store %arg8[%swap3A_227], %masked_sort3A_225 {strides = array<i32>} : memref<16xf32, #tpu.memory_space<vmem>>, vector<16xf32>,
        %swap3A_229 = arith.constant 0 : index
        %swap3A_230 = tpu.vector_load %arg9[%swap3A_229] {strides = array<i32>} : memref<16xf32, #tpu.memory_space<vmem>>, vector<16xf32>,
        tpu.vector_store %arg9[%swap3A_229], %masked_sort3A_226 {strides = array<i32>} : memref<16xf32, #tpu.memory_space<vmem>>, vector<16xf32>,
        %scan3A_231 = arith.constant 0 : i32
        scf.yield %scan3A_231 : i32
      }
      %scan3A_188 = arith.constant 128 : i32
      %get3A_189 = arith.constant 0 : index
      %get3A_190 = tpu.vector_load %arg7[%get3A_189] {strides = array<i32>} : memref<16xf32, #tpu.memory_space<vmem>>, vector<16xf32>,
      %get3A_191 = arith.constant 0 : index
      %get3A_192 = tpu.vector_load %arg9[%get3A_191] {strides = array<i32>} : memref<16xf32, #tpu.memory_space<vmem>>, vector<16xf32>,
      %jit3A_193 = arith.constant 0.000000e+00 : f32
      %broadcast_in_dim3A_194 = vector.broadcast %jit3A_193 : f32 to vector<16xf32>
      %select_n3A_195 = arith.select %lt3A_4, %get3A_192, %broadcast_in_dim3A_194 : vector<16xi1>, vector<16xf32>
      %add3A_196 = arith.addf %get3A_190, %select_n3A_195 : vector<16xf32>
      %swap3A_197 = arith.constant 0 : index
      %swap3A_198 = tpu.vector_load %arg7[%swap3A_197] {strides = array<i32>} : memref<16xf32, #tpu.memory_space<vmem>>, vector<16xf32>,
      tpu.vector_store %arg7[%swap3A_197], %add3A_196 {strides = array<i32>} : memref<16xf32, #tpu.memory_space<vmem>>, vector<16xf32>,
      %scan3A_199 = arith.constant 0 : i32
      scf.yield %scan3A_199 : i32
    }
    %scan3A_12 = arith.constant 32 : i32
    "tpu.region"() ({
      %run_scoped3A = tpu.sem_alloc : memref<!tpu.dma_semaphore, #tpu.memory_space<semaphore_mem>>
      %dma_start3A = arith.constant 0 : i32
      %dma_start3A_13 = tpu.memref_slice %arg4[%add3A, %dma_start3A] : memref<32x16xf32, #tpu.memory_space<hbm>> -> memref<1x16xf32, #tpu.memory_space<hbm>>
      %dma_start3A_14 = tpu.memref_squeeze %dma_start3A_13 : memref<1x16xf32, #tpu.memory_space<hbm>> -> memref<16xf32, #tpu.memory_space<hbm>>
      %dma_start3A_15 = arith.constant 0 : i32
      %dma_start3A_16 = tpu.memref_slice %arg4[%add3A, %dma_start3A_15] : memref<32x16xf32, #tpu.memory_space<hbm>> -> memref<1x16xf32, #tpu.memory_space<hbm>>
      %dma_start3A_17 = tpu.memref_squeeze %dma_start3A_16 : memref<1x16xf32, #tpu.memory_space<hbm>> -> memref<16xf32, #tpu.memory_space<hbm>>
      tpu.enqueue_dma source(%arg7 : memref<16xf32, #tpu.memory_space<vmem>>) target(%dma_start3A_17 : memref<16xf32, #tpu.memory_space<hbm>>) target_semaphore(%run_scoped3A : memref<!tpu.dma_semaphore, #tpu.memory_space<semaphore_mem>>)
      %dma_wait3A = arith.constant 0 : i32
      %dma_wait3A_18 = tpu.memref_slice %arg4[%add3A, %dma_wait3A] : memref<32x16xf32, #tpu.memory_space<hbm>> -> memref<1x16xf32, #tpu.memory_space<hbm>>
      %dma_wait3A_19 = tpu.memref_squeeze %dma_wait3A_18 : memref<1x16xf32, #tpu.memory_space<hbm>> -> memref<16xf32, #tpu.memory_space<hbm>>
      %dma_wait3A_20 = arith.constant 0 : i32
      %dma_wait3A_21 = tpu.memref_slice %arg4[%add3A, %dma_wait3A_20] : memref<32x16xf32, #tpu.memory_space<hbm>> -> memref<1x16xf32, #tpu.memory_space<hbm>>
      %dma_wait3A_22 = tpu.memref_squeeze %dma_wait3A_21 : memref<1x16xf32, #tpu.memory_space<hbm>> -> memref<16xf32, #tpu.memory_space<hbm>>
      tpu.wait_dma2 semaphore(%run_scoped3A : memref<!tpu.dma_semaphore, #tpu.memory_space<semaphore_mem>>) src(%arg7 : memref<16xf32, #tpu.memory_space<vmem>>) dst(%dma_wait3A_22 : memref<16xf32, #tpu.memory_space<hbm>>)
      tpu.yield
    }) : () -> ()
    return
  }
}

module attributes {stable_mosaic.version = 14 : i64} {
  func.func @_tokens_kernel(%arg0: i32, %arg1: i32, %arg2: memref<1x512x768xf32, #tpu.memory_space<vmem>>, %arg3: memref<1x512x768xf32, #tpu.memory_space<vmem>>, %arg4: memref<768x64xf32, #tpu.memory_space<vmem>>, %arg5: memref<1x1x1xf32, #tpu.memory_space<vmem>>, %arg6: memref<1x512x64xf32, #tpu.memory_space<vmem>>, %arg7: memref<1x512x64xf32, #tpu.memory_space<vmem>>) attributes {dimension_semantics = [#tpu.dimension_semantics<arbitrary>, #tpu.dimension_semantics<arbitrary>], iteration_bounds = array<i64: 4, 4>, scalar_prefetch = 0 : i64, scratch_operands = 0 : i64, tpu.core_type = #tpu.core_type<tc>, window_params = [{transform_indices = @transform_0, window_bounds = array<i64: 1, 512, 768>}, {transform_indices = @transform_1, window_bounds = array<i64: 1, 512, 768>}, {pipeline_mode = #tpu.pipeline_mode<synchronous>, transform_indices = @transform_2, window_bounds = array<i64: 768, 64>}, {transform_indices = @transform_3, window_bounds = array<i64: 1, 1, 1>}, {transform_indices = @transform_4, window_bounds = array<i64: 1, 512, 64>}, {transform_indices = @transform_5, window_bounds = array<i64: 1, 512, 64>}]} {
    %get3A = arith.constant 0 : index
    %get3A_0 = arith.constant 0 : index
    %get3A_1 = arith.constant 0 : index
    %get3A_2 = vector.load %arg2[%get3A, %get3A_0, %get3A_1] : memref<1x512x768xf32, #tpu.memory_space<vmem>>, vector<1x512x768xf32>
    %get3A_3 = vector.shape_cast %get3A_2 : vector<1x512x768xf32> to vector<512x768xf32>
    %get3A_4 = arith.constant 0 : index
    %get3A_5 = arith.constant 0 : index
    %get3A_6 = arith.constant 0 : index
    %get3A_7 = vector.load %arg3[%get3A_4, %get3A_5, %get3A_6] : memref<1x512x768xf32, #tpu.memory_space<vmem>>, vector<1x512x768xf32>
    %get3A_8 = vector.shape_cast %get3A_7 : vector<1x512x768xf32> to vector<512x768xf32>
    %get3A_9 = arith.constant 0 : index
    %get3A_10 = arith.constant 0 : index
    %get3A_11 = vector.load %arg4[%get3A_9, %get3A_10] : memref<768x64xf32, #tpu.memory_space<vmem>>, vector<768x64xf32>
    %get3A_12 = arith.constant 0 : index
    %get3A_13 = arith.constant 0 : index
    %get3A_14 = arith.constant 0 : index
    %get3A_15 = vector.load %arg5[%get3A_12, %get3A_13, %get3A_14] : memref<1x1x1xf32, #tpu.memory_space<vmem>>, vector<1x1x1xf32>
    %squeeze3A = vector.shape_cast %get3A_15 : vector<1x1x1xf32> to vector<1x1xf32>
    %dot_general3A = arith.constant dense<0.000000e+00> : vector<512x64xf32>
    %dot_general3A_16 = tpu.matmul %get3A_3, %get3A_11, %dot_general3A {dimension_numbers = #tpu.dot_dimension_numbers<[1], [0], [0], [1], [0, 0, 1, 1], [], []>, transpose_lhs_hint = false} : vector<512x768xf32>, vector<768x64xf32>, vector<512x64xf32> -> vector<512x64xf32>
    %mul3A = vector.broadcast %squeeze3A : vector<1x1xf32> to vector<512x768xf32>
    %mul3A_17 = arith.mulf %mul3A, %get3A_8 : vector<512x768xf32>
    %add3A = arith.addf %get3A_3, %mul3A_17 : vector<512x768xf32>
    %dot_general3A_18 = arith.constant dense<0.000000e+00> : vector<512x64xf32>
    %dot_general3A_19 = tpu.matmul %add3A, %get3A_11, %dot_general3A_18 {dimension_numbers = #tpu.dot_dimension_numbers<[1], [0], [0], [1], [0, 0, 1, 1], [], []>, transpose_lhs_hint = false} : vector<512x768xf32>, vector<768x64xf32>, vector<512x64xf32> -> vector<512x64xf32>
    %mul3A_20 = arith.mulf %dot_general3A_16, %dot_general3A_16 : vector<512x64xf32>
    %reduce_sum3A = arith.constant dense<0.000000e+00> : vector<512xf32>
    %reduce_sum3A_21 = vector.multi_reduction <add>, %mul3A_20, %reduce_sum3A [1] : vector<512x64xf32> to vector<512xf32>
    %broadcast_in_dim3A = vector.shape_cast %reduce_sum3A_21 : vector<512xf32> to vector<512x1xf32>
    %sqrt3A = math.sqrt %broadcast_in_dim3A : vector<512x1xf32>
    %add3A_22 = arith.constant 9.99999997E-7 : f32
    %add3A_23 = vector.broadcast %add3A_22 : f32 to vector<512x1xf32>
    %add3A_24 = arith.addf %sqrt3A, %add3A_23 : vector<512x1xf32>
    %div3A = vector.broadcast %add3A_24 : vector<512x1xf32> to vector<512x64xf32>
    %div3A_25 = arith.divf %dot_general3A_16, %div3A : vector<512x64xf32>
    %swap3A = arith.constant 0 : index
    %swap3A_26 = arith.constant 0 : index
    %swap3A_27 = arith.constant 0 : index
    %swap3A_28 = vector.load %arg6[%swap3A, %swap3A_26, %swap3A_27] : memref<1x512x64xf32, #tpu.memory_space<vmem>>, vector<1x512x64xf32>
    %swap3A_29 = vector.shape_cast %swap3A_28 : vector<1x512x64xf32> to vector<512x64xf32>
    %swap3A_30 = vector.shape_cast %div3A_25 : vector<512x64xf32> to vector<1x512x64xf32>
    tpu.vector_store %arg6[%swap3A, %swap3A_26, %swap3A_27], %swap3A_30 {strides = array<i32>} : memref<1x512x64xf32, #tpu.memory_space<vmem>>, vector<1x512x64xf32>,
    %mul3A_31 = arith.mulf %dot_general3A_19, %dot_general3A_19 : vector<512x64xf32>
    %reduce_sum3A_32 = arith.constant dense<0.000000e+00> : vector<512xf32>
    %reduce_sum3A_33 = vector.multi_reduction <add>, %mul3A_31, %reduce_sum3A_32 [1] : vector<512x64xf32> to vector<512xf32>
    %broadcast_in_dim3A_34 = vector.shape_cast %reduce_sum3A_33 : vector<512xf32> to vector<512x1xf32>
    %sqrt3A_35 = math.sqrt %broadcast_in_dim3A_34 : vector<512x1xf32>
    %add3A_36 = arith.constant 9.99999997E-7 : f32
    %add3A_37 = vector.broadcast %add3A_36 : f32 to vector<512x1xf32>
    %add3A_38 = arith.addf %sqrt3A_35, %add3A_37 : vector<512x1xf32>
    %div3A_39 = vector.broadcast %add3A_38 : vector<512x1xf32> to vector<512x64xf32>
    %div3A_40 = arith.divf %dot_general3A_19, %div3A_39 : vector<512x64xf32>
    %swap3A_41 = arith.constant 0 : index
    %swap3A_42 = arith.constant 0 : index
    %swap3A_43 = arith.constant 0 : index
    %swap3A_44 = vector.load %arg7[%swap3A_41, %swap3A_42, %swap3A_43] : memref<1x512x64xf32, #tpu.memory_space<vmem>>, vector<1x512x64xf32>
    %swap3A_45 = vector.shape_cast %swap3A_44 : vector<1x512x64xf32> to vector<512x64xf32>
    %swap3A_46 = vector.shape_cast %div3A_40 : vector<512x64xf32> to vector<1x512x64xf32>
    tpu.vector_store %arg7[%swap3A_41, %swap3A_42, %swap3A_43], %swap3A_46 {strides = array<i32>} : memref<1x512x64xf32, #tpu.memory_space<vmem>>, vector<1x512x64xf32>,
    return
  }
  func.func @transform_0(%arg0: i32, %arg1: i32) -> (i32, i32, i32) {
    %c0_i32 = arith.constant 0 : i32
    %c0_i32_0 = arith.constant 0 : i32
    return %arg0, %arg1, %c0_i32 : i32, i32, i32
  }
  func.func @transform_1(%arg0: i32, %arg1: i32) -> (i32, i32, i32) {
    %c0_i32 = arith.constant 0 : i32
    %c0_i32_0 = arith.constant 0 : i32
    return %arg0, %arg1, %c0_i32 : i32, i32, i32
  }
  func.func @transform_2(%arg0: i32, %arg1: i32) -> (i32, i32) {
    %c0_i32 = arith.constant 0 : i32
    %c0_i32_0 = arith.constant 0 : i32
    %c0_i32_1 = arith.constant 0 : i32
    return %c0_i32, %c0_i32_0 : i32, i32
  }
  func.func @transform_3(%arg0: i32, %arg1: i32) -> (i32, i32, i32) {
    %c0_i32 = arith.constant 0 : i32
    %c0_i32_0 = arith.constant 0 : i32
    %c0_i32_1 = arith.constant 0 : i32
    return %arg0, %c0_i32, %c0_i32_0 : i32, i32, i32
  }
  func.func @transform_4(%arg0: i32, %arg1: i32) -> (i32, i32, i32) {
    %c0_i32 = arith.constant 0 : i32
    %c0_i32_0 = arith.constant 0 : i32
    return %arg0, %arg1, %c0_i32 : i32, i32, i32
  }
  func.func @transform_5(%arg0: i32, %arg1: i32) -> (i32, i32, i32) {
    %c0_i32 = arith.constant 0 : i32
    %c0_i32_0 = arith.constant 0 : i32
    return %arg0, %arg1, %c0_i32 : i32, i32, i32
  }
}

module attributes {stable_mosaic.version = 14 : i64} {
  func.func @_ssq_kernel(%arg0: i32, %arg1: i32, %arg2: memref<1x512x768xf32, #tpu.memory_space<vmem>>, %arg3: memref<1x1x1xf32, #tpu.memory_space<vmem>>) attributes {dimension_semantics = [#tpu.dimension_semantics<arbitrary>, #tpu.dimension_semantics<arbitrary>], iteration_bounds = array<i64: 4, 4>, scalar_prefetch = 0 : i64, scratch_operands = 0 : i64, tpu.core_type = #tpu.core_type<tc>, window_params = [{transform_indices = @transform_0, window_bounds = array<i64: 1, 512, 768>}, {transform_indices = @transform_1, window_bounds = array<i64: 1, 1, 1>}]} {
    %get3A = arith.constant 0 : index
    %get3A_0 = arith.constant 0 : index
    %get3A_1 = arith.constant 0 : index
    %get3A_2 = vector.load %arg2[%get3A, %get3A_0, %get3A_1] : memref<1x512x768xf32, #tpu.memory_space<vmem>>, vector<1x512x768xf32>
    %get3A_3 = vector.shape_cast %get3A_2 : vector<1x512x768xf32> to vector<512x768xf32>
    %mul3A = arith.mulf %get3A_3, %get3A_3 : vector<512x768xf32>
    %reduce_sum3A = vector.shape_cast %mul3A : vector<512x768xf32> to vector<1x512x768xf32>
    %reduce_sum3A_4 = arith.constant dense<0.000000e+00> : vector<1xf32>
    %reduce_sum3A_5 = vector.multi_reduction <add>, %reduce_sum3A, %reduce_sum3A_4 [1, 2] : vector<1x512x768xf32> to vector<1xf32>
    %reduce_sum3A_6 = vector.shape_cast %reduce_sum3A_5 : vector<1xf32> to vector<1x1x1xf32>
    %reduce_sum3A_7 = vector.extract %reduce_sum3A_6[0, 0, 0] : f32 from vector<1x1x1xf32>
    %eq3A = arith.constant 0 : i32
    %eq3A_8 = arith.cmpi eq, %arg1, %eq3A : i32
    %convert_element_type3A = arith.extui %eq3A_8 : i1 to i32
    %cond3A = arith.constant 0 : i32
    %cond3A_9 = arith.cmpi ne, %convert_element_type3A, %cond3A : i32
    scf.if %cond3A_9 {
      %reshape3A = vector.broadcast %reduce_sum3A_7 : f32 to vector<1x1x1xf32>
      %swap3A = arith.constant 0 : index
      %swap3A_14 = arith.constant 0 : index
      %swap3A_15 = arith.constant 0 : index
      %swap3A_16 = vector.load %arg3[%swap3A, %swap3A_14, %swap3A_15] : memref<1x1x1xf32, #tpu.memory_space<vmem>>, vector<1x1x1xf32>
      tpu.vector_store %arg3[%swap3A, %swap3A_14, %swap3A_15], %reshape3A {strides = array<i32>} : memref<1x1x1xf32, #tpu.memory_space<vmem>>, vector<1x1x1xf32>,
    } else {
    }
    %ne3A = arith.constant 0 : i32
    %ne3A_10 = arith.cmpi ne, %arg1, %ne3A : i32
    %convert_element_type3A_11 = arith.extui %ne3A_10 : i1 to i32
    %cond3A_12 = arith.constant 0 : i32
    %cond3A_13 = arith.cmpi ne, %convert_element_type3A_11, %cond3A_12 : i32
    scf.if %cond3A_13 {
      %get3A_14 = arith.constant 0 : index
      %get3A_15 = arith.constant 0 : index
      %get3A_16 = arith.constant 0 : index
      %get3A_17 = vector.load %arg3[%get3A_14, %get3A_15, %get3A_16] : memref<1x1x1xf32, #tpu.memory_space<vmem>>, vector<1x1x1xf32>
      %reshape3A = vector.broadcast %reduce_sum3A_7 : f32 to vector<1x1x1xf32>
      %add3A = arith.addf %get3A_17, %reshape3A : vector<1x1x1xf32>
      %swap3A = arith.constant 0 : index
      %swap3A_18 = arith.constant 0 : index
      %swap3A_19 = arith.constant 0 : index
      %swap3A_20 = vector.load %arg3[%swap3A, %swap3A_18, %swap3A_19] : memref<1x1x1xf32, #tpu.memory_space<vmem>>, vector<1x1x1xf32>
      tpu.vector_store %arg3[%swap3A, %swap3A_18, %swap3A_19], %add3A {strides = array<i32>} : memref<1x1x1xf32, #tpu.memory_space<vmem>>, vector<1x1x1xf32>,
    } else {
    }
    return
  }
  func.func @transform_0(%arg0: i32, %arg1: i32) -> (i32, i32, i32) {
    %c0_i32 = arith.constant 0 : i32
    %c0_i32_0 = arith.constant 0 : i32
    return %arg0, %arg1, %c0_i32 : i32, i32, i32
  }
  func.func @transform_1(%arg0: i32, %arg1: i32) -> (i32, i32, i32) {
    %c0_i32 = arith.constant 0 : i32
    %c0_i32_0 = arith.constant 0 : i32
    %c0_i32_1 = arith.constant 0 : i32
    return %arg0, %c0_i32, %c0_i32_0 : i32, i32, i32
  }
}

module attributes {stable_mosaic.version = 14 : i64} {
  func.func @_sims_kernel(%arg0: i32, %arg1: i32, %arg2: memref<1x2048x64xf32, #tpu.memory_space<vmem>>, %arg3: memref<1x2048x64xf32, #tpu.memory_space<vmem>>, %arg4: memref<256x2048xf32, #tpu.memory_space<vmem>>, %arg5: memref<256x2048xf32, #tpu.memory_space<vmem>>) attributes {dimension_semantics = [#tpu.dimension_semantics<arbitrary>, #tpu.dimension_semantics<arbitrary>], iteration_bounds = array<i64: 4, 8>, scalar_prefetch = 0 : i64, scratch_operands = 0 : i64, tpu.core_type = #tpu.core_type<tc>, window_params = [{transform_indices = @transform_0, window_bounds = array<i64: 1, 2048, 64>}, {transform_indices = @transform_1, window_bounds = array<i64: 1, 2048, 64>}, {transform_indices = @transform_2, window_bounds = array<i64: 256, 2048>}, {transform_indices = @transform_3, window_bounds = array<i64: 256, 2048>}]} {
    %mul3A = arith.constant 256 : i32
    %mul3A_0 = arith.muli %arg1, %mul3A : i32
    %get3A = arith.constant 0 : index
    %get3A_1 = arith.index_cast %mul3A_0 : i32 to index
    %get3A_2 = arith.constant 0 : index
    %get3A_3 = vector.load %arg2[%get3A, %get3A_1, %get3A_2] : memref<1x2048x64xf32, #tpu.memory_space<vmem>>, vector<1x256x64xf32>
    %get3A_4 = vector.shape_cast %get3A_3 : vector<1x256x64xf32> to vector<256x64xf32>
    %mul3A_5 = arith.constant 256 : i32
    %mul3A_6 = arith.muli %arg1, %mul3A_5 : i32
    %get3A_7 = arith.constant 0 : index
    %get3A_8 = arith.index_cast %mul3A_6 : i32 to index
    %get3A_9 = arith.constant 0 : index
    %get3A_10 = vector.load %arg3[%get3A_7, %get3A_8, %get3A_9] : memref<1x2048x64xf32, #tpu.memory_space<vmem>>, vector<1x256x64xf32>
    %get3A_11 = vector.shape_cast %get3A_10 : vector<1x256x64xf32> to vector<256x64xf32>
    %get3A_12 = arith.constant 0 : index
    %get3A_13 = arith.constant 0 : index
    %get3A_14 = arith.constant 0 : index
    %get3A_15 = vector.load %arg2[%get3A_12, %get3A_13, %get3A_14] : memref<1x2048x64xf32, #tpu.memory_space<vmem>>, vector<1x2048x64xf32>
    %get3A_16 = vector.shape_cast %get3A_15 : vector<1x2048x64xf32> to vector<2048x64xf32>
    %transpose3A = tpu.transpose %get3A_16, [1, 0] : vector<2048x64xf32> -> vector<64x2048xf32>
    %dot_general3A = arith.constant dense<0.000000e+00> : vector<256x2048xf32>
    %dot_general3A_17 = tpu.matmul %get3A_4, %transpose3A, %dot_general3A {dimension_numbers = #tpu.dot_dimension_numbers<[1], [0], [0], [1], [0, 0, 1, 1], [], []>, transpose_lhs_hint = false} : vector<256x64xf32>, vector<64x2048xf32>, vector<256x2048xf32> -> vector<256x2048xf32>
    %get3A_18 = arith.constant 0 : index
    %get3A_19 = arith.constant 0 : index
    %get3A_20 = arith.constant 0 : index
    %get3A_21 = vector.load %arg3[%get3A_18, %get3A_19, %get3A_20] : memref<1x2048x64xf32, #tpu.memory_space<vmem>>, vector<1x2048x64xf32>
    %get3A_22 = vector.shape_cast %get3A_21 : vector<1x2048x64xf32> to vector<2048x64xf32>
    %transpose3A_23 = tpu.transpose %get3A_22, [1, 0] : vector<2048x64xf32> -> vector<64x2048xf32>
    %dot_general3A_24 = arith.constant dense<0.000000e+00> : vector<256x2048xf32>
    %dot_general3A_25 = tpu.matmul %get3A_11, %transpose3A_23, %dot_general3A_24 {dimension_numbers = #tpu.dot_dimension_numbers<[1], [0], [0], [1], [0, 0, 1, 1], [], []>, transpose_lhs_hint = false} : vector<256x64xf32>, vector<64x2048xf32>, vector<256x2048xf32> -> vector<256x2048xf32>
    %iota3A = tpu.iota {dimensions = array<i32: 1>} : vector<256x2048xi32>
    %iota3A_26 = tpu.iota {dimensions = array<i32: 0>} : vector<256x2048xi32>
    %mul3A_27 = arith.constant 256 : i32
    %mul3A_28 = arith.muli %arg1, %mul3A_27 : i32
    %add3A = vector.broadcast %mul3A_28 : i32 to vector<256x2048xi32>
    %add3A_29 = arith.addi %iota3A_26, %add3A : vector<256x2048xi32>
    %eq3A = arith.cmpi eq, %iota3A, %add3A_29 : vector<256x2048xi32>
    %jit3A = arith.constant -1.000000e+30 : f32
    %broadcast_in_dim3A = vector.broadcast %jit3A : f32 to vector<256x2048xf32>
    %select_n3A = arith.select %eq3A, %broadcast_in_dim3A, %dot_general3A_17 : vector<256x2048xi1>, vector<256x2048xf32>
    %swap3A = arith.constant 0 : index
    %swap3A_30 = arith.constant 0 : index
    %swap3A_31 = vector.load %arg4[%swap3A, %swap3A_30] : memref<256x2048xf32, #tpu.memory_space<vmem>>, vector<256x2048xf32>
    tpu.vector_store %arg4[%swap3A, %swap3A_30], %select_n3A {strides = array<i32>} : memref<256x2048xf32, #tpu.memory_space<vmem>>, vector<256x2048xf32>,
    %sub3A = arith.subf %dot_general3A_25, %dot_general3A_17 : vector<256x2048xf32>
    %mul3A_32 = arith.mulf %sub3A, %sub3A : vector<256x2048xf32>
    %swap3A_33 = arith.constant 0 : index
    %swap3A_34 = arith.constant 0 : index
    %swap3A_35 = vector.load %arg5[%swap3A_33, %swap3A_34] : memref<256x2048xf32, #tpu.memory_space<vmem>>, vector<256x2048xf32>
    tpu.vector_store %arg5[%swap3A_33, %swap3A_34], %mul3A_32 {strides = array<i32>} : memref<256x2048xf32, #tpu.memory_space<vmem>>, vector<256x2048xf32>,
    return
  }
  func.func @transform_0(%arg0: i32, %arg1: i32) -> (i32, i32, i32) {
    %c0_i32 = arith.constant 0 : i32
    %c0_i32_0 = arith.constant 0 : i32
    %c0_i32_1 = arith.constant 0 : i32
    return %arg0, %c0_i32, %c0_i32_0 : i32, i32, i32
  }
  func.func @transform_1(%arg0: i32, %arg1: i32) -> (i32, i32, i32) {
    %c0_i32 = arith.constant 0 : i32
    %c0_i32_0 = arith.constant 0 : i32
    %c0_i32_1 = arith.constant 0 : i32
    return %arg0, %c0_i32, %c0_i32_0 : i32, i32, i32
  }
  func.func @transform_2(%arg0: i32, %arg1: i32) -> (i32, i32) {
    %mul3A = arith.constant 8 : i32
    %mul3A_0 = arith.muli %arg0, %mul3A : i32
    %add3A = arith.addi %mul3A_0, %arg1 : i32
    %c0_i32 = arith.constant 0 : i32
    %c0_i32_1 = arith.constant 0 : i32
    return %add3A, %c0_i32 : i32, i32
  }
  func.func @transform_3(%arg0: i32, %arg1: i32) -> (i32, i32) {
    %mul3A = arith.constant 8 : i32
    %mul3A_0 = arith.muli %arg0, %mul3A : i32
    %add3A = arith.addi %mul3A_0, %arg1 : i32
    %c0_i32 = arith.constant 0 : i32
    %c0_i32_1 = arith.constant 0 : i32
    return %add3A, %c0_i32 : i32, i32
  }
}

</mosaic_0001>

<sc_bundles>
// kernel: kernel.6.cloned.1.call-start
scs
__scs_entry_jumppad:
0x0: {  	(pc) =	sbr.rel $0x88, $3  }
0x1: {  	(tag) =	ssettag $0x0;
	lr =	simm.s32 $0x1  }
0x2: {  	[smem:$0x3F9E] =	sst lr;
	_ =	strace $0xD0000000  }
0x3: {  	_ = 	snop  }
0x4: {  	_ = 	snop  }
0x5: {  	_ = 	snop  }
0x6: {  	_ = 	snop  }
0x7: {  	_ = 	snop  }
__scs_overlays_trampoline_lowered:
0x8: {  	[smem:$0x3FAD] =	sst s0  }
0x9: {  	[smem:$0x3FAE] =	sst s1  }
0xa: {  	[smem:$0x3FAF] =	sst s2  }
0xb: {  	[smem:$0x3FB0] =	sst s3  }
0xc: {  	[smem:$0x3FB1] =	sst s4  }
0xd: {  	[smem:$0x3FB2] =	sst s5  }
0xe: {  	[smem:$0x3FB3] =	sst s6  }
0xf: {  	[smem:$0x3FB4] =	sst s7  }
0x10: {  	[smem:$0x3FB5] =	sst s8  }
0x11: {  	[smem:$0x3FB6] =	sst s9;
	s0 =	simm.s32 @!p0 $0x0  }
0x12: {  	s1 =	sld [smem:$0x3F9C];
	s0 =	simm.s32 @p0 $0x1  }
0x13: {  	[smem:$0x3FB7] =	sst s0;
	s0 =	simm.s32 @!p1 $0x0  }
0x14: {  	s2 =	sld [smem:$0x3F9B];
	s0 =	simm.s32 @p1 $0x1  }
0x15: {  	[smem:$0x3FB8] =	sst s0;
	s0 =	simm.s32 @!p2 $0x0  }
0x16: {  	s3 =	sld [smem:$0x3FDB];
	s0 =	simm.s32 @p2 $0x1  }
0x17: {  	s4 =	simm.s32 $0x1BF5;
	[smem:$0x3FBA] =	sst s0  }
0x18: {  	s0 =	sld [smem:$0x3F9D];
	_ =	swait.ge [sflag:s4], $0x0  }
0x19: {  	s7 =	sld [smem:$0x3F9E]  }
0x1a: {  	s8 =	sadd.s32 $0xFFFFE003, lr  }
0x1b: {  	s9 =	sadd.s32 $0xFFFFFEF7, lr;
	s5 =	simm.s32 $0xFFFFFFFF;
	p2 =	slt.u32 s8, $0xFFFFF086  }
0x1c: {  	p1 =	slt.u32 s9, $0xF7A;
	s5 =	simm.s32 @!p2 $0x0  }
0x1d: {  	s5 =	simm.s32 @p1 $0x1;
	p0 =	seq.s32 s7, s2  }
0x1e: {  	s7 =	smul.u32 @!p0 $0xF7A, s2;
	p2 =	seq.s32 @!p0 s5, $0x0  }
0x1f: {  	s9 =	smul.u32 $0xF7A, s1;
	s8 =	simm.s32 @!p0 $0x1BF5;
	p2 =	por !p2, p0  }
0x20: {  	[sflag:s8] =	ssyncset.s32 @!p0 $0xFFFFF086;
	s6 =	sadd.s32 @!p0 s3, s7;
	s7 =	simm.s32 @!p0 $0x108  }
0x21: {  	s3 =	sadd.s32 s3, s9;
	s6 =	sadd.s32 @!p0 $0x88, s6;
	s7 =	simm.s32 @p2 $0x1082  }
0x22: {  	[simem:s7], [sflag:s8] =	dma.local @!p0 [hbm:s6], $0xF7A  }
0x23: {  	s9 =	sor.u32 $0xD0000000, s2;
	s6 =	simm.s32 $0x108;
	_ =	swait.ge @!p0 [sflag:s8], $0x0  }
0x24: {  	s3 =	sadd.s32 $0x88, s3;
	s6 =	simm.s32 @!p1 $0x1082;
	[sflag:s4] =	ssyncset.s32 $0xFFFFF086  }
0x25: {  	[simem:s6], [sflag:s4] =	dma.local [hbm:s3], $0xF7A  }
0x26: {  	[smem:$0x3F9E] =	sst s1;
	(tag) =	ssettag s2;
	_ =	strace s9  }
0x27: {  	s1 =	sld [smem:$0x3FAE]  }
0x28: {  	s2 =	sld [smem:$0x3FAF]  }
0x29: {  	s4 =	sld [smem:$0x3FB1]  }
0x2a: {  	p0 =	seq.s32 s5, $0x0;
	s5 =	sld [smem:$0x3FB2]  }
0x2b: {  	s6 =	sld [smem:$0x3FB3]  }
0x2c: {  	s7 =	sld [smem:$0x3FB4]  }
0x2d: {  	s3 =	simm.s32 $0x108;
	s8 =	sld [smem:$0x3FB5]  }
0x2e: {  	s3 =	simm.s32 @!p0 $0x1082;
	s9 =	sld [smem:$0x3FB6]  }
0x2f: {  	lr =	sadd.s32 s0, s3;
	s0 =	sld [smem:$0x3FAD]  }
0x30: {  	s3 =	sld [smem:$0x3FB0]  }
0x31: {  	[smem:$0x3FB9] =	sst s10  }
0x32: {  	s10 =	sld [smem:$0x3FB7];
	_ =	sdelay $0x3  }
0x33: {  	p0 =	seq.s32 s10, $0x1;
	s10 =	sld [smem:$0x3FB9];
	_ =	sdelay $0x3  }
0x34: {  	[smem:$0x3FB9] =	sst s10  }
0x35: {  	s10 =	sld [smem:$0x3FB8];
	_ =	sdelay $0x3  }
0x36: {  	p1 =	seq.s32 s10, $0x1;
	s10 =	sld [smem:$0x3FB9];
	_ =	sdelay $0x3  }
0x37: {  	[smem:$0x3FB9] =	sst s10  }
0x38: {  	s10 =	sld [smem:$0x3FBA]  }
0x39: {  	_ = 	snop;
	(pc) =	sbr.ind lr, $3  }
0x3a: {  	_ = 	snop  }
0x3b: {  	_ = 	snop  }
0x3c: {  	p2 =	seq.s32 s10, $0x1;
	s10 =	sld [smem:$0x3FB9]  }
0x3d: {  	_ =	shalt  }
0x3e: {  	_ =	shalt  }
0x3f: {  	_ =	shalt  }
0x40: {  	_ =	shalt  }
0x41: {  	_ =	shalt  }
0x42: {  	_ =	shalt  }
0x43: {  	_ =	shalt  }
0x44: {  	_ =	shalt  }
0x45: {  	_ =	shalt  }
0x46: {  	_ =	shalt  }
0x47: {  	_ =	shalt  }
0x48: {  	_ =	shalt  }
0x49: {  	_ =	shalt  }
0x4a: {  	_ =	shalt  }
0x4b: {  	_ =	shalt  }
0x4c: {  	_ =	shalt  }
0x4d: {  	_ =	shalt  }
0x4e: {  	_ =	shalt  }
0x4f: {  	_ =	shalt  }
0x50: {  	_ =	shalt  }
0x51: {  	_ =	shalt  }
0x52: {  	_ =	shalt  }
0x53: {  	_ =	shalt  }
0x54: {  	_ =	shalt  }
0x55: {  	_ =	shalt  }
0x56: {  	_ =	shalt  }
0x57: {  	_ =	shalt  }
0x58: {  	_ =	shalt  }
0x59: {  	_ =	shalt  }
0x5a: {  	_ =	shalt  }
0x5b: {  	_ =	shalt  }
0x5c: {  	_ =	shalt  }
0x5d: {  	_ =	shalt  }
0x5e: {  	_ =	shalt  }
0x5f: {  	_ =	shalt  }
0x60: {  	_ =	shalt  }
0x61: {  	_ =	shalt  }
0x62: {  	_ =	shalt  }
0x63: {  	_ =	shalt  }
0x64: {  	_ =	shalt  }
0x65: {  	_ =	shalt  }
0x66: {  	_ =	shalt  }
0x67: {  	_ =	shalt  }
0x68: {  	_ =	shalt  }
0x69: {  	_ =	shalt  }
0x6a: {  	_ =	shalt  }
0x6b: {  	_ =	shalt  }
0x6c: {  	_ =	shalt  }
0x6d: {  	_ =	shalt  }
0x6e: {  	_ =	shalt  }
0x6f: {  	_ =	shalt  }
0x70: {  	_ =	shalt  }
0x71: {  	_ =	shalt  }
0x72: {  	_ =	shalt  }
0x73: {  	_ =	shalt  }
0x74: {  	_ =	shalt  }
0x75: {  	_ =	shalt  }
0x76: {  	_ =	shalt  }
0x77: {  	_ =	shalt  }
0x78: {  	_ =	shalt  }
0x79: {  	_ =	shalt  }
0x7a: {  	_ =	shalt  }
0x7b: {  	_ =	shalt  }
0x7c: {  	_ =	shalt  }
0x7d: {  	_ =	shalt  }
0x7e: {  	_ =	shalt  }
0x7f: {  	_ =	shalt  }
0x80: {  	_ =	shalt  }
0x81: {  	_ =	shalt  }
0x82: {  	_ =	shalt  }
0x83: {  	_ =	shalt  }
0x84: {  	_ =	shalt  }
0x85: {  	_ =	shalt  }
0x86: {  	_ =	shalt  }
0x87: {  	_ =	shalt  }
.Lfunc_end0:
.L_simem_size_0:
called_computation_lowered:
.L_overlay_start_0:
0x88: {  	s2 =	sld [smem:$0x3FD9]  }
0x89: {  	s3 =	sld [smem:$0x3FFE];
	_ =	sdelay $0x1  }
0x8a: {  	s1 =	srdreg.scid  }
0x8b: {  	s0 =	sand.u32 $0x1, s1  }
0x8c: {  	s16 =	sshll.u32 s0, $0xA;
	s2 =	sadd.s32 s3, s2  }
0x8d: {  	s2 =	sadd.s32 s2, s16  }
0x8e: {  	[smem:$0x3FC5] =	sst s2  }
0x8f: {  	_ = 	snop  }
0x90: {  	(tm) =	ssettm $0x1  }
0x91: {  	s17 =	sld [smem:$0x3FFB];
	_ =	sdelay $0x3  }
0x92: {  	_ =	strace s17  }
0x93: {  	s2 =	sld [smem:$0x3FFC];
	_ =	sdelay $0x3  }
0x94: {  	_ =	strace s2  }
0x95: {  	s2 =	sld [smem:$0x3FFD];
	_ =	sdelay $0x3  }
0x96: {  	_ =	strace s2  }
0x97: {  	_ =	strace $0x8FFFFFFF  }
0x98: {  	s18 =	sld [smem:$0x3FDB];
	_ =	sdelay $0x1  }
0x99: {  	s19 =	simm.s32 $_scs_section_size  }
0x9a: {  	s4 =	simm.s32 $_size__tile_overlayer_lowered;
	s5 =	simm.s32 $_tile_overlayer_lowered  }
0x9b: {  	s22 =	simm.s32 $0x1BFF;
	s21 =	sshll.u32 s5, $0x1;
	s2 =	sadd.s32 s19, s18  }
0x9c: {  	s6 =	simm.s32 $0x0;
	s20 =	sshll.u32 s4, $0x1;
	s4 =	sadd.s32 s21, s2  }
0x9d: {  	[timem:s6], [sflag:s22] =	dma.local [hbm:s4], s20  }
0x9e: {  	_ =	swait.ge [sflag:s22], s20  }
0x9f: {  	s3 =	ssub.s32 $0x0, s20;
	[sflag:s22] =	ssyncset.done $0x0  }
0xa0: {  	[sflag:s22] =	ssyncadd.s32 s3;
	_ =	sdelay $0x1  }
0xa1: {  	s23 =	simm.s32 $0x1B8B  }
0xa2: {  	_ =	swait.ge [sflag:s23], $0x1  }
0xa3: {  	[sflag:s23] =	ssyncset.done $0x0  }
0xa4: {  	s25 =	simm.s32 $0x1B8E;
	s24 =	sld [smem:$0x3FFE];
	[sflag:s23] =	ssyncadd.s32 $0xFFFFFFFF  }
0xa5: {  	s26 =	simm.s32 $execute0_lowered;
	[smem:$0x3FD2] =	sst s25  }
0xa6: {  	s4 =	sshll.u32 s26, $0x1;
	_ =	strace $0x80000046;
	[dreg:$0x1] =	wrdreg $0xFFFFFFFF  }
0xa7: {  	s28 =	simm.s32 $_size_execute0_lowered;
	s2 =	sadd.s32 s2, s4;
	[dreg:$0x0] =	wrdreg $0x0  }
0xa8: {  	s4 =	sshll.u32 s28, $0x1;
	[dreg:$0x2] =	wrdreg s2  }
0xa9: {  	[dreg:$0x3] =	wrdreg s4  }
0xaa: {  	[dreg:$0x4] =	wrdreg $0xC0  }
0xab: {  	_ =	task [dreg:s6], $0x5FFFF  }
0xac: {  	[dreg:$0x1] =	wrdreg $0xFFFFFFFF  }
0xad: {  	[dreg:$0x0] =	wrdreg $0x60  }
0xae: {  	[dreg:$0x2] =	wrdreg s24  }
0xaf: {  	[dreg:$0x3] =	wrdreg $0x9  }
0xb0: {  	_ =	task.clear_ibuf [dreg:s6], $0x4FFFF;
	_ =	strace $0x90000046  }
0xb1: {  	s29 =	simm.s32 $0x9;
	_ =	strace $0x80000048  }
0xb2: {  	_ =	swait.ge [sflag:s29], $0x1  }
0xb3: {  	[sflag:s29] =	ssyncadd.s32 $0xFFFFFFFF  }
0xb4: {  	_ =	strace $0x90000048  }
0xb5: {  	_ =	sfence  }
0xb6: {  	s30 =	sld [smem:$0x0];
	_ =	sdelay $0x2  }
0xb7: {  	s31 =	sshll.u32 s1, $0xD;
	s1 =	sshrl.u32 s1, $0x2  }
0xb8: {  	s3 =	sand.u32 $0x4000, s31;
	s1 =	sadd.s32 s1, s30  }
0xb9: {  	s0 =	sor.u32 s3, s0;
	s1 =	sshll.u32 s1, $0x11  }
0xba: {  	s0 =	sor.u32 s1, s0  }
0xbb: {  	s0 =	sadd.s32 $0x8F2B, s0  }
0xbc: {  	[sflag:s0] =	ssyncadd.remote.s32 $0x1  }
0xbd: {  	_ =	sfence.sel $0xFFFF  }
0xbe: {  	[dreg:$0x0] =	wrdreg $0xFFFFFFFF;
	(pc) =	sbr.abs _section_cstart, $3  }
0xbf: {  	[dreg:$0x1] =	wrdreg $0xFFFFFFFF  }
0xc0: {  	_ =	task.clear_ibuf [dreg:s6], $0x2FFFF;
	_ =	strace $0x9FFFFFFF  }
0xc1: {  	(tm) =	ssettm $0x7FFFFFFF  }
tec
execute0_lowered:
.L_overlay_start_1:
0x0: {  	(tag) =	ssettag $0x1  }
0x1: {  	s5 =	rddreg [dreg:$0x0]  }
0x2: {  	s0 =	rddreg [dreg:$0x1];
	s2 =	simm.s32 $0x0  }
0x3: {  	s3 =	srdreg.scid;
	s1 =	stileid.u32;
	s10 =	simm.s32 $0x8000  }
0x4: {  	s11 =	simm.s32 $0x0;
	s4 =	sand.u32 $0x1, s3;
	s6 =	sshll.u32 s1, $0x1  }
0x5: {  	[smem:$0x7FF] =	sst s2;
	s3 =	sadd.s32 $0x600, s5;
	s6 =	sor.u32 s4, s6  }
0x6: {  	_ =	strace $0x80000047;
	s7 =	ssub.s32 $0x2, s4;
	s8 =	sshll.u32 s6, $0x4  }
0x7: {  	s4 =	sadd.s32 $0x200600, s5;
	s9 =	sshrl.u32 s7, $0x1;
	s8 =	sadd.s32 s8, s5  }
0x8: {  	s7 =	ssub.s32 s7, s9;
	s5 =	sshll.u32 s6, $0x10;
	s9 =	simm.s32 $0x4000  }
0x9: {  	v0 =	vimm.f32 $0.0e+00;
	v1 =	vimm.f32 $-1.000000020e+30;
	vm0 =	vmmov $0xff;
	s6 =	sadd.s32 $0x400600, s8;
	s7 =	smax.u32 s7, $0x1;
	s8 =	simm.s32 $0x1  }
.LBB2_1:
0xa: {  	[tilespmem:$0x8000] =	vst v0;
	s12 =	simm.s32 $0x0  }
.LBB2_2:
0xb: {  	s13 =	sshll.u32 s12, $0xB  }
0xc: {  	s14 =	sadd.s32 s5, s13  }
0xd: {  	s13 =	simm.s32 $0x0;
	s15 =	sadd.s32 s3, s14  }
0xe: {  	[tilespmem:s13], [sflag:$0x1] =	stream.linear.gather [hbm4b:s15+s13], $0x4000, $0x38;
	[tilespmem:$0x8180] =	vst v63  }
0xf: {  	_ =	swait.ge [sflag:s8], $0x4000  }
0x10: {  	[sflag:s8] =	ssyncset.done $0x0  }
0x11: {  	s14 =	sadd.s32 s4, s14;
	[sflag:s8] =	ssyncadd.s32 $0xFFFFC000  }
0x12: {  	[tilespmem:s9], [sflag:$0x1] =	stream.linear.gather [hbm4b:s14+s13], $0x4000, $0x38;
	[tilespmem:$0x8180] =	vst v63  }
0x13: {  	_ =	swait.ge [sflag:s8], $0x4000  }
0x14: {  	[sflag:s8] =	ssyncset.done $0x0  }
0x15: {  	[sflag:s8] =	ssyncadd.s32 $0xFFFFC000  }
0x16: {  	v2 =	vimm.f32 $0.0e+00;
	s30 =	sand.u32 $0x70, s13;
	s31 =	sand.u32 $0x3C00, s13;
	[tilespmem:$0x8080] =	vst v1  }
0x17: {  	s15 =	sor.u32 s30, s31;
	s14 =	simm.s32 $0x10;
	[tilespmem:$0x8100] =	vst v2  }
.LBB2_3:
0x18: {  	p0 =	sne.s32 s14, $0x7F0;
	v3 =	vld [tilespmem:s15+$0x4000]  }
0x19: {  	v4 =	vld [tilespmem:s15+$0x0];
	_ =	sdelay $0x4  }
0x1a: {  	(xrf1) =	vsort.ascd.msk.f32 $0xffff, v4, v3;
	_ =	sdelay $0x9  }
0x1b: {  	v3 =	vld [tilespmem:$0x8080];
	_ =	sdelay $0x3  }
0x1c: {  	v4, v5, _ =	vpop (xrf1)  }
0x1d: {  	vm1 =	vge.f32 v3, v4  }
0x1e: {  	v3 =	vsel vm1, v3, v4;
	v2 =	vsel vm1, v2, v5  }
0x1f: {  	(xrf1) =	vsort.dscd.msk.f32 $0xffff, v3, v2;
	_ =	sdelay $0xb  }
.Ltmp0:
0x20: {  	(pc) =	sbr.rel @p0 .LBB2_3-.Ltmp0, $4  }
0x21: {  	_ = 	snop  }
0x22: {  	s13 =	sadd.s32 $0x80, s13;
	v3, v2, _ =	vpop (xrf1)  }
0x23: {  	s15 =	sand.u32 $0x70, s14;
	s16 =	sand.u32 $0x3C00, s13;
	[tilespmem:$0x8080] =	vst v3  }
0x24: {  	s14 =	sadd.s32 $0x10, s14;
	s15 =	sor.u32 s15, s16;
	[tilespmem:$0x8100] =	vst v2  }
0x25: {  	v3 =	vld [tilespmem:s15+$0x4000]  }
0x26: {  	v4 =	vld [tilespmem:s15+$0x0];
	_ =	sdelay $0x4  }
0x27: {  	(xrf1) =	vsort.ascd.msk.f32 $0xffff, v4, v3;
	_ =	sdelay $0x9  }
0x28: {  	v3 =	vld [tilespmem:$0x8080];
	_ =	sdelay $0x3  }
0x29: {  	v4, v5, _ =	vpop (xrf1)  }
0x2a: {  	vm1 =	vge.f32 v3, v4  }
0x2b: {  	v3 =	vsel vm1, v3, v4;
	v2 =	vsel vm1, v2, v5  }
0x2c: {  	(xrf1) =	vsort.dscd.msk.f32 $0xffff, v3, v2;
	_ =	sdelay $0xa  }
0x2d: {  	v2 =	vld [tilespmem:$0x8000];
	_ =	sdelay $0x2  }
0x2e: {  	v3, v4, _ =	vpop (xrf1)  }
0x2f: {  	v63 =	vnsel vm0, $0x0, v4;
	[tilespmem:$0x8080] =	vst v3  }
0x30: {  	[tilespmem:$0x8100] =	vst v4;
	v2 =	vadd.f32 v63, v2  }
0x31: {  	s13 =	simm.s32 $0x0;
	[tilespmem:$0x8080] =	vst v1  }
0x32: {  	s14 =	sand.u32 $0x70, s13;
	s31 =	sand.u32 $0x3C00, s13;
	[tilespmem:$0x8000] =	vst v2;
	v2 =	vimm.f32 $0.0e+00  }
0x33: {  	s15 =	sor.u32 s31, s14;
	s14 =	simm.s32 $0x10;
	[tilespmem:$0x8100] =	vst v2  }
.LBB2_5:
0x34: {  	p0 =	sne.s32 s14, $0x7F0;
	v3 =	vld [tilespmem:s15+$0x4080]  }
0x35: {  	v4 =	vld [tilespmem:s15+$0x80];
	_ =	sdelay $0x4  }
0x36: {  	(xrf1) =	vsort.ascd.msk.f32 $0xffff, v4, v3;
	_ =	sdelay $0x9  }
0x37: {  	v3 =	vld [tilespmem:$0x8080];
	_ =	sdelay $0x3  }
0x38: {  	v4, v5, _ =	vpop (xrf1)  }
0x39: {  	vm1 =	vge.f32 v3, v4  }
0x3a: {  	v3 =	vsel vm1, v3, v4;
	v2 =	vsel vm1, v2, v5  }
0x3b: {  	(xrf1) =	vsort.dscd.msk.f32 $0xffff, v3, v2;
	_ =	sdelay $0xb  }
.Ltmp1:
0x3c: {  	(pc) =	sbr.rel @p0 .LBB2_5-.Ltmp1, $4  }
0x3d: {  	_ = 	snop  }
0x3e: {  	s13 =	sadd.s32 $0x80, s13;
	v3, v2, _ =	vpop (xrf1)  }
0x3f: {  	s15 =	sand.u32 $0x70, s14;
	s16 =	sand.u32 $0x3C00, s13;
	[tilespmem:$0x8080] =	vst v3  }
0x40: {  	s14 =	sadd.s32 $0x10, s14;
	s15 =	sor.u32 s16, s15;
	[tilespmem:$0x8100] =	vst v2  }
0x41: {  	v3 =	vld [tilespmem:s15+$0x4080]  }
0x42: {  	v4 =	vld [tilespmem:s15+$0x80];
	_ =	sdelay $0x4  }
0x43: {  	(xrf1) =	vsort.ascd.msk.f32 $0xffff, v4, v3;
	_ =	sdelay $0x9  }
0x44: {  	v3 =	vld [tilespmem:$0x8080];
	_ =	sdelay $0x3  }
0x45: {  	v4, v5, _ =	vpop (xrf1)  }
0x46: {  	vm1 =	vge.f32 v3, v4  }
0x47: {  	v3 =	vsel vm1, v3, v4;
	v2 =	vsel vm1, v2, v5  }
0x48: {  	(xrf1) =	vsort.dscd.msk.f32 $0xffff, v3, v2;
	_ =	sdelay $0xa  }
0x49: {  	v2 =	vld [tilespmem:$0x8000];
	_ =	sdelay $0x2  }
0x4a: {  	v3, v4, _ =	vpop (xrf1)  }
0x4b: {  	v63 =	vnsel vm0, $0x0, v4;
	[tilespmem:$0x8080] =	vst v3  }
0x4c: {  	[tilespmem:$0x8100] =	vst v4;
	v2 =	vadd.f32 v63, v2  }
0x4d: {  	s13 =	simm.s32 $0x0;
	[tilespmem:$0x8080] =	vst v1  }
0x4e: {  	s14 =	sand.u32 $0x70, s13;
	s31 =	sand.u32 $0x3C00, s13;
	[tilespmem:$0x8000] =	vst v2;
	v2 =	vimm.f32 $0.0e+00  }
0x4f: {  	s15 =	sor.u32 s31, s14;
	s14 =	simm.s32 $0x10;
	[tilespmem:$0x8100] =	vst v2  }
.LBB2_7:
0x50: {  	p0 =	sne.s32 s14, $0x7F0;
	v3 =	vld [tilespmem:s15+$0x4100]  }
0x51: {  	v4 =	vld [tilespmem:s15+$0x100];
	_ =	sdelay $0x4  }
0x52: {  	(xrf1) =	vsort.ascd.msk.f32 $0xffff, v4, v3;
	_ =	sdelay $0x9  }
0x53: {  	v3 =	vld [tilespmem:$0x8080];
	_ =	sdelay $0x3  }
0x54: {  	v4, v5, _ =	vpop (xrf1)  }
0x55: {  	vm1 =	vge.f32 v3, v4  }
0x56: {  	v3 =	vsel vm1, v3, v4;
	v2 =	vsel vm1, v2, v5  }
0x57: {  	(xrf1) =	vsort.dscd.msk.f32 $0xffff, v3, v2;
	_ =	sdelay $0xb  }
.Ltmp2:
0x58: {  	(pc) =	sbr.rel @p0 .LBB2_7-.Ltmp2, $4  }
0x59: {  	_ = 	snop  }
0x5a: {  	s13 =	sadd.s32 $0x80, s13;
	v3, v2, _ =	vpop (xrf1)  }
0x5b: {  	s15 =	sand.u32 $0x70, s14;
	s16 =	sand.u32 $0x3C00, s13;
	[tilespmem:$0x8080] =	vst v3  }
0x5c: {  	s14 =	sadd.s32 $0x10, s14;
	s15 =	sor.u32 s16, s15;
	[tilespmem:$0x8100] =	vst v2  }
0x5d: {  	v3 =	vld [tilespmem:s15+$0x4100]  }
0x5e: {  	v4 =	vld [tilespmem:s15+$0x100];
	_ =	sdelay $0x4  }
0x5f: {  	(xrf1) =	vsort.ascd.msk.f32 $0xffff, v4, v3;
	_ =	sdelay $0x9  }
0x60: {  	v3 =	vld [tilespmem:$0x8080];
	_ =	sdelay $0x3  }
0x61: {  	v4, v5, _ =	vpop (xrf1)  }
0x62: {  	vm1 =	vge.f32 v3, v4  }
0x63: {  	v3 =	vsel vm1, v3, v4;
	v2 =	vsel vm1, v2, v5  }
0x64: {  	(xrf1) =	vsort.dscd.msk.f32 $0xffff, v3, v2;
	_ =	sdelay $0xa  }
0x65: {  	v2 =	vld [tilespmem:$0x8000];
	_ =	sdelay $0x2  }
0x66: {  	v3, v4, _ =	vpop (xrf1)  }
0x67: {  	v63 =	vnsel vm0, $0x0, v4;
	[tilespmem:$0x8080] =	vst v3  }
0x68: {  	[tilespmem:$0x8100] =	vst v4;
	v2 =	vadd.f32 v63, v2  }
0x69: {  	s13 =	simm.s32 $0x0;
	[tilespmem:$0x8080] =	vst v1  }
0x6a: {  	s14 =	sand.u32 $0x70, s13;
	s31 =	sand.u32 $0x3C00, s13;
	[tilespmem:$0x8000] =	vst v2;
	v2 =	vimm.f32 $0.0e+00  }
0x6b: {  	s15 =	sor.u32 s31, s14;
	s14 =	simm.s32 $0x10;
	[tilespmem:$0x8100] =	vst v2  }
.LBB2_9:
0x6c: {  	p0 =	sne.s32 s14, $0x7F0;
	v3 =	vld [tilespmem:s15+$0x4180]  }
0x6d: {  	v4 =	vld [tilespmem:s15+$0x180];
	_ =	sdelay $0x4  }
0x6e: {  	(xrf1) =	vsort.ascd.msk.f32 $0xffff, v4, v3;
	_ =	sdelay $0x9  }
0x6f: {  	v3 =	vld [tilespmem:$0x8080];
	_ =	sdelay $0x3  }
0x70: {  	v4, v5, _ =	vpop (xrf1)  }
0x71: {  	vm1 =	vge.f32 v3, v4  }
0x72: {  	v3 =	vsel vm1, v3, v4;
	v2 =	vsel vm1, v2, v5  }
0x73: {  	(xrf1) =	vsort.dscd.msk.f32 $0xffff, v3, v2;
	_ =	sdelay $0xb  }
.Ltmp3:
0x74: {  	(pc) =	sbr.rel @p0 .LBB2_9-.Ltmp3, $4  }
0x75: {  	_ = 	snop  }
0x76: {  	s13 =	sadd.s32 $0x80, s13;
	v3, v2, _ =	vpop (xrf1)  }
0x77: {  	s15 =	sand.u32 $0x70, s14;
	s16 =	sand.u32 $0x3C00, s13;
	[tilespmem:$0x8080] =	vst v3  }
0x78: {  	s14 =	sadd.s32 $0x10, s14;
	s15 =	sor.u32 s16, s15;
	[tilespmem:$0x8100] =	vst v2  }
0x79: {  	v3 =	vld [tilespmem:s15+$0x4180]  }
0x7a: {  	v4 =	vld [tilespmem:s15+$0x180];
	_ =	sdelay $0x4  }
0x7b: {  	(xrf1) =	vsort.ascd.msk.f32 $0xffff, v4, v3;
	_ =	sdelay $0x9  }
0x7c: {  	v3 =	vld [tilespmem:$0x8080];
	_ =	sdelay $0x3  }
0x7d: {  	v4, v5, _ =	vpop (xrf1)  }
0x7e: {  	vm1 =	vge.f32 v3, v4  }
0x7f: {  	v3 =	vsel vm1, v3, v4;
	v2 =	vsel vm1, v2, v5  }
0x80: {  	(xrf1) =	vsort.dscd.msk.f32 $0xffff, v3, v2;
	_ =	sdelay $0xa  }
0x81: {  	v2 =	vld [tilespmem:$0x8000];
	_ =	sdelay $0x2  }
0x82: {  	v3, v4, _ =	vpop (xrf1)  }
0x83: {  	v63 =	vnsel vm0, $0x0, v4;
	[tilespmem:$0x8080] =	vst v3  }
0x84: {  	[tilespmem:$0x8100] =	vst v4;
	v2 =	vadd.f32 v63, v2  }
0x85: {  	s13 =	simm.s32 $0x0;
	[tilespmem:$0x8080] =	vst v1  }
0x86: {  	s14 =	sand.u32 $0x70, s13;
	s31 =	sand.u32 $0x3C00, s13;
	[tilespmem:$0x8000] =	vst v2;
	v2 =	vimm.f32 $0.0e+00  }
0x87: {  	s15 =	sor.u32 s31, s14;
	s14 =	simm.s32 $0x10;
	[tilespmem:$0x8100] =	vst v2  }
.LBB2_11:
0x88: {  	p0 =	sne.s32 s14, $0x7F0;
	v3 =	vld [tilespmem:s15+$0x4200]  }
0x89: {  	v4 =	vld [tilespmem:s15+$0x200];
	_ =	sdelay $0x4  }
0x8a: {  	(xrf1) =	vsort.ascd.msk.f32 $0xffff, v4, v3;
	_ =	sdelay $0x9  }
0x8b: {  	v3 =	vld [tilespmem:$0x8080];
	_ =	sdelay $0x3  }
0x8c: {  	v4, v5, _ =	vpop (xrf1)  }
0x8d: {  	vm1 =	vge.f32 v3, v4  }
0x8e: {  	v3 =	vsel vm1, v3, v4;
	v2 =	vsel vm1, v2, v5  }
0x8f: {  	(xrf1) =	vsort.dscd.msk.f32 $0xffff, v3, v2;
	_ =	sdelay $0xb  }
.Ltmp4:
0x90: {  	(pc) =	sbr.rel @p0 .LBB2_11-.Ltmp4, $4  }
0x91: {  	_ = 	snop  }
0x92: {  	s13 =	sadd.s32 $0x80, s13;
	v3, v2, _ =	vpop (xrf1)  }
0x93: {  	s15 =	sand.u32 $0x70, s14;
	s16 =	sand.u32 $0x3C00, s13;
	[tilespmem:$0x8080] =	vst v3  }
0x94: {  	s14 =	sadd.s32 $0x10, s14;
	s15 =	sor.u32 s16, s15;
	[tilespmem:$0x8100] =	vst v2  }
0x95: {  	v3 =	vld [tilespmem:s15+$0x4200]  }
0x96: {  	v4 =	vld [tilespmem:s15+$0x200];
	_ =	sdelay $0x4  }
0x97: {  	(xrf1) =	vsort.ascd.msk.f32 $0xffff, v4, v3;
	_ =	sdelay $0x9  }
0x98: {  	v3 =	vld [tilespmem:$0x8080];
	_ =	sdelay $0x3  }
0x99: {  	v4, v5, _ =	vpop (xrf1)  }
0x9a: {  	vm1 =	vge.f32 v3, v4  }
0x9b: {  	v3 =	vsel vm1, v3, v4;
	v2 =	vsel vm1, v2, v5  }
0x9c: {  	(xrf1) =	vsort.dscd.msk.f32 $0xffff, v3, v2;
	_ =	sdelay $0xa  }
0x9d: {  	v2 =	vld [tilespmem:$0x8000];
	_ =	sdelay $0x2  }
0x9e: {  	v3, v4, _ =	vpop (xrf1)  }
0x9f: {  	v63 =	vnsel vm0, $0x0, v4;
	[tilespmem:$0x8080] =	vst v3  }
0xa0: {  	[tilespmem:$0x8100] =	vst v4;
	v2 =	vadd.f32 v63, v2  }
0xa1: {  	s13 =	simm.s32 $0x0;
	[tilespmem:$0x8080] =	vst v1  }
0xa2: {  	s14 =	sand.u32 $0x70, s13;
	s31 =	sand.u32 $0x3C00, s13;
	[tilespmem:$0x8000] =	vst v2;
	v2 =	vimm.f32 $0.0e+00  }
0xa3: {  	s15 =	sor.u32 s31, s14;
	s14 =	simm.s32 $0x10;
	[tilespmem:$0x8100] =	vst v2  }
.LBB2_13:
0xa4: {  	p0 =	sne.s32 s14, $0x7F0;
	v3 =	vld [tilespmem:s15+$0x4280]  }
0xa5: {  	v4 =	vld [tilespmem:s15+$0x280];
	_ =	sdelay $0x4  }
0xa6: {  	(xrf1) =	vsort.ascd.msk.f32 $0xffff, v4, v3;
	_ =	sdelay $0x9  }
0xa7: {  	v3 =	vld [tilespmem:$0x8080];
	_ =	sdelay $0x3  }
0xa8: {  	v4, v5, _ =	vpop (xrf1)  }
0xa9: {  	vm1 =	vge.f32 v3, v4  }
0xaa: {  	v3 =	vsel vm1, v3, v4;
	v2 =	vsel vm1, v2, v5  }
0xab: {  	(xrf1) =	vsort.dscd.msk.f32 $0xffff, v3, v2;
	_ =	sdelay $0xb  }
.Ltmp5:
0xac: {  	(pc) =	sbr.rel @p0 .LBB2_13-.Ltmp5, $4  }
0xad: {  	_ = 	snop  }
0xae: {  	s13 =	sadd.s32 $0x80, s13;
	v3, v2, _ =	vpop (xrf1)  }
0xaf: {  	s15 =	sand.u32 $0x70, s14;
	s16 =	sand.u32 $0x3C00, s13;
	[tilespmem:$0x8080] =	vst v3  }
0xb0: {  	s14 =	sadd.s32 $0x10, s14;
	s15 =	sor.u32 s16, s15;
	[tilespmem:$0x8100] =	vst v2  }
0xb1: {  	v3 =	vld [tilespmem:s15+$0x4280]  }
0xb2: {  	v4 =	vld [tilespmem:s15+$0x280];
	_ =	sdelay $0x4  }
0xb3: {  	(xrf1) =	vsort.ascd.msk.f32 $0xffff, v4, v3;
	_ =	sdelay $0x9  }
0xb4: {  	v3 =	vld [tilespmem:$0x8080];
	_ =	sdelay $0x3  }
0xb5: {  	v4, v5, _ =	vpop (xrf1)  }
0xb6: {  	vm1 =	vge.f32 v3, v4  }
0xb7: {  	v3 =	vsel vm1, v3, v4;
	v2 =	vsel vm1, v2, v5  }
0xb8: {  	(xrf1) =	vsort.dscd.msk.f32 $0xffff, v3, v2;
	_ =	sdelay $0xa  }
0xb9: {  	v2 =	vld [tilespmem:$0x8000];
	_ =	sdelay $0x2  }
0xba: {  	v3, v4, _ =	vpop (xrf1)  }
0xbb: {  	v63 =	vnsel vm0, $0x0, v4;
	[tilespmem:$0x8080] =	vst v3  }
0xbc: {  	[tilespmem:$0x8100] =	vst v4;
	v2 =	vadd.f32 v63, v2  }
0xbd: {  	s13 =	simm.s32 $0x0;
	[tilespmem:$0x8080] =	vst v1  }
0xbe: {  	s14 =	sand.u32 $0x70, s13;
	s31 =	sand.u32 $0x3C00, s13;
	[tilespmem:$0x8000] =	vst v2;
	v2 =	vimm.f32 $0.0e+00  }
0xbf: {  	s15 =	sor.u32 s31, s14;
	s14 =	simm.s32 $0x10;
	[tilespmem:$0x8100] =	vst v2  }
.LBB2_15:
0xc0: {  	p0 =	sne.s32 s14, $0x7F0;
	v3 =	vld [tilespmem:s15+$0x4300]  }
0xc1: {  	v4 =	vld [tilespmem:s15+$0x300];
	_ =	sdelay $0x4  }
0xc2: {  	(xrf1) =	vsort.ascd.msk.f32 $0xffff, v4, v3;
	_ =	sdelay $0x9  }
0xc3: {  	v3 =	vld [tilespmem:$0x8080];
	_ =	sdelay $0x3  }
0xc4: {  	v4, v5, _ =	vpop (xrf1)  }
0xc5: {  	vm1 =	vge.f32 v3, v4  }
0xc6: {  	v3 =	vsel vm1, v3, v4;
	v2 =	vsel vm1, v2, v5  }
0xc7: {  	(xrf1) =	vsort.dscd.msk.f32 $0xffff, v3, v2;
	_ =	sdelay $0xb  }
.Ltmp6:
0xc8: {  	(pc) =	sbr.rel @p0 .LBB2_15-.Ltmp6, $4  }
0xc9: {  	_ = 	snop  }
0xca: {  	s13 =	sadd.s32 $0x80, s13;
	v3, v2, _ =	vpop (xrf1)  }
0xcb: {  	s15 =	sand.u32 $0x70, s14;
	s16 =	sand.u32 $0x3C00, s13;
	[tilespmem:$0x8080] =	vst v3  }
0xcc: {  	s14 =	sadd.s32 $0x10, s14;
	s15 =	sor.u32 s16, s15;
	[tilespmem:$0x8100] =	vst v2  }
0xcd: {  	v3 =	vld [tilespmem:s15+$0x4300]  }
0xce: {  	v4 =	vld [tilespmem:s15+$0x300];
	_ =	sdelay $0x4  }
0xcf: {  	(xrf1) =	vsort.ascd.msk.f32 $0xffff, v4, v3;
	_ =	sdelay $0x9  }
0xd0: {  	v3 =	vld [tilespmem:$0x8080];
	_ =	sdelay $0x3  }
0xd1: {  	v4, v5, _ =	vpop (xrf1)  }
0xd2: {  	vm1 =	vge.f32 v3, v4  }
0xd3: {  	v3 =	vsel vm1, v3, v4;
	v2 =	vsel vm1, v2, v5  }
0xd4: {  	(xrf1) =	vsort.dscd.msk.f32 $0xffff, v3, v2;
	_ =	sdelay $0xa  }
0xd5: {  	v2 =	vld [tilespmem:$0x8000];
	_ =	sdelay $0x2  }
0xd6: {  	v3, v4, _ =	vpop (xrf1)  }
0xd7: {  	s13 =	simm.s32 $0x0;
	v5 =	vnsel vm0, $0x0, v4;
	[tilespmem:$0x8080] =	vst v3  }
0xd8: {  	s13 =	sand.u32 $0x7, s13;
	[tilespmem:$0x8100] =	vst v4;
	v2 =	vadd.f32 v5, v2  }
0xd9: {  	s13 =	sshll.u32 s13, $0x4;
	[tilespmem:$0x8080] =	vst v1  }
0xda: {  	s13 =	sadd.s32 $0x0, s13;
	[tilespmem:$0x8000] =	vst v2;
	v2 =	vimm.f32 $0.0e+00  }
0xdb: {  	s13 =	sor.u32 $0x380, s13;
	[tilespmem:$0x8100] =	vst v2  }
0xdc: {  	v3 =	vld [tilespmem:s13+$0x4000]  }
0xdd: {  	v4 =	vld [tilespmem:s13+$0x0];
	_ =	sdelay $0x4  }
0xde: {  	(xrf1) =	vsort.ascd.msk.f32 $0xffff, v4, v3;
	_ =	sdelay $0x9  }
0xdf: {  	v3 =	vld [tilespmem:$0x8080];
	_ =	sdelay $0x3  }
0xe0: {  	v4, v5, _ =	vpop (xrf1)  }
0xe1: {  	vm1 =	vge.f32 v3, v4  }
0xe2: {  	v3 =	vsel vm1, v3, v4;
	v2 =	vsel vm1, v2, v5  }
0xe3: {  	(xrf1) =	vsort.dscd.msk.f32 $0xffff, v3, v2;
	_ =	sdelay $0xb  }
0xe4: {  	s13 =	simm.s32 $0x1  }
0xe5: {  	s14 =	sand.u32 $0x7, s13  }
0xe6: {  	s15 =	simm.s32 $0x20;
	s16 =	sshll.u32 s14, $0x4;
	s14 =	simm.s32 $0x80;
	v3, v2, _ =	vpop (xrf1)  }
.LBB2_17:
0xe7: {  	p0 =	sne.s32 s15, $0x7F0;
	s16 =	sadd.s32 s16, s14;
	[tilespmem:$0x8080] =	vst v3  }
0xe8: {  	s16 =	sor.u32 $0x380, s16;
	[tilespmem:$0x8100] =	vst v2  }
0xe9: {  	v3 =	vld [tilespmem:s16+$0x4000]  }
0xea: {  	v4 =	vld [tilespmem:s16+$0x0];
	_ =	sdelay $0x4  }
0xeb: {  	(xrf1) =	vsort.ascd.msk.f32 $0xffff, v4, v3;
	_ =	sdelay $0x9  }
0xec: {  	v3 =	vld [tilespmem:$0x8080];
	_ =	sdelay $0x3  }
0xed: {  	v4, v5, _ =	vpop (xrf1)  }
0xee: {  	vm1 =	vge.f32 v3, v4  }
0xef: {  	v3 =	vsel vm1, v3, v4;
	v2 =	vsel vm1, v2, v5  }
0xf0: {  	(xrf1) =	vsort.dscd.msk.f32 $0xffff, v3, v2;
	_ =	sdelay $0x9  }
.Ltmp7:
0xf1: {  	(pc) =	sbr.rel @p0 .LBB2_17-.Ltmp7, $4  }
0xf2: {  	_ = 	snop  }
0xf3: {  	s13 =	sadd.s32 $0x1, s13  }
0xf4: {  	s16 =	sand.u32 $0x7, s13  }
0xf5: {  	s15 =	sadd.s32 $0x10, s15;
	s14 =	sadd.s32 $0x80, s14;
	s16 =	sshll.u32 s16, $0x4;
	v3, v2, _ =	vpop (xrf1)  }
0xf6: {  	s13 =	sadd.s32 s16, s14;
	[tilespmem:$0x8080] =	vst v3  }
0xf7: {  	[tilespmem:$0x8100] =	vst v2;
	s13 =	sor.u32 $0x380, s13  }
0xf8: {  	v3 =	vld [tilespmem:s13+$0x4000]  }
0xf9: {  	v4 =	vld [tilespmem:s13+$0x0];
	_ =	sdelay $0x4  }
0xfa: {  	(xrf1) =	vsort.ascd.msk.f32 $0xffff, v4, v3;
	_ =	sdelay $0x9  }
0xfb: {  	v3 =	vld [tilespmem:$0x8080];
	_ =	sdelay $0x3  }
0xfc: {  	v4, v5, _ =	vpop (xrf1)  }
0xfd: {  	vm1 =	vge.f32 v3, v4  }
0xfe: {  	v3 =	vsel vm1, v3, v4;
	v2 =	vsel vm1, v2, v5  }
0xff: {  	(xrf1) =	vsort.dscd.msk.f32 $0xffff, v3, v2;
	_ =	sdelay $0xa  }
0x100: {  	v2 =	vld [tilespmem:$0x8000]  }
0x101: {  	s12 =	sadd.s32 $0x1, s12  }
0x102: {  	p0 =	sne.s32 s12, $0x20  }
.Ltmp8:
0x103: {  	v3, v4, _ =	vpop (xrf1);
	(pc) =	sbr.rel @p0 .LBB2_2-.Ltmp8, $4  }
0x104: {  	v63 =	vnsel vm0, $0x0, v4  }
0x105: {  	[tilespmem:$0x8080] =	vst v3;
	v2 =	vadd.f32 v63, v2  }
0x106: {  	[tilespmem:$0x8100] =	vst v4  }
0x107: {  	[tilespmem:$0x8000] =	vst v2  }
0x108: {  	s11 =	sadd.s32 $0x1, s11  }
0x109: {  	p0 =	sne.s32 s11, s7  }
.Ltmp9:
0x10a: {  	_ = 	snop;
	(pc) =	sbr.rel @p0 .LBB2_1-.Ltmp9, $4  }
0x10b: {  	[hbm4b:s6+s2] =	stream.linear.scatter [tilespmem:s10], [sflag:$0x1], $0x80, $0x38;
	[tilespmem:$0x8180] =	vst v63  }
0x10c: {  	_ =	swait.ge [sflag:s8], $0x80  }
0x10d: {  	[sflag:s8] =	ssyncset.done $0x0  }
0x10e: {  	[sflag:s8] =	ssyncadd.s32 $0xFFFFFF80  }
0x10f: {  	_ =	sfence.sel $0x180000  }
0x110: {  	[bflag:$0x0] =	sbarrier.arrive $0xFFFF  }
0x111: {  	p0 =	sne.s32 s1, $0x0;
	_ =	strace $0x90000047  }
0x112: {  	s0 =	sadd.s32 @!p0 $0x100000, s0;
	[bflag:$0x2] =	sbarrier.arrive $0xFFFF  }
0x113: {  	[sflag:s0] =	ssyncadd.tile.s32 @!p0 $0x1;
	_ =	shalt  }
.Lfunc_end2:
_tile_overlayer_lowered:
.L_overlay_start_2:
0x114: {  	(tag) =	ssettag $0x2  }
0x115: {  	s0 =	rddreg [dreg:$0x0];
	s2 =	stileid.u32  }
0x116: {  	s1 =	rddreg [dreg:$0x1];
	p0 =	sne.s32 s2, $0x0  }
0x117: {  	s3 =	rddreg [dreg:$0x2];
	[bflag:$0x3] =	sbarrier.arrive $0xFFFF;
	s2 =	simm.s32 @!p0 $0x1C01  }
0x118: {  	[timem:s3], [sflag:s2] =	dma.local @!p0 [hbm:s0], s1  }
0x119: {  	s0 =	simm.s32 @!p0 $0x1  }
0x11a: {  	_ =	swait.ge @!p0 [sflag:s0], s1  }
0x11b: {  	s1 =	ssub.s32 @!p0 $0x0, s1;
	[sflag:s0] =	ssyncset.done @!p0 $0x0  }
0x11c: {  	[sflag:s0] =	ssyncadd.s32 @!p0 s1  }
0x11d: {  	[bflag:$0x3] =	sbarrier.arrive $0xFFFF  }
0x11e: {  	_ =	shalt  }

</sc_bundles>
